<compile_context>
chip_gen: v7x
topology: tpu7x:2x2x1
jax: 0.10.2.dev20260603
libtpu: 0.0.44.dev20260713+nightly
codegen_flags: <defaults>
</compile_context>

<pallas_src>
import functools

import jax
import jax.numpy as jnp
from jax import lax
from jax.experimental import pallas as pl
from jax.experimental.pallas import tpu as pltpu
from jax.experimental.pallas import tpu_sc as plsc

D = 64
NC, NS = 2, 16
NW = NC * NS


@functools.partial(jax.jit, static_argnums=(4, 5))
def _lookup_sum(ix, iy, wx, wy, n, c):
    per_w = n // NW
    n_chunks = per_w // c
    assert n_chunks % 2 == 0
    mesh = plsc.VectorSubcoreMesh(core_axis_name="c", subcore_axis_name="s")

    def body(ix_hbm, iy_hbm, wx_hbm, wy_hbm, out_hbm,
             idxx_v, idxy_v, ba0, ba1, bb0, bb1,
             ga0, ga1, gb0, gb1, wb0, wb1):
        wid = lax.axis_index("s") * NC + lax.axis_index("c")
        base = wid * per_w
        bufa = (ba0, ba1)
        bufb = (bb0, bb1)
        ga = (ga0, ga1)
        gb = (gb0, gb1)
        wb = (wb0, wb1)

        pltpu.sync_copy(ix_hbm.at[pl.ds(base, per_w)], idxx_v)
        pltpu.sync_copy(iy_hbm.at[pl.ds(base, per_w)], idxy_v)

        def fire_gathers(k, b):
            s = pl.ds(k * c, c)
            pltpu.async_copy(wx_hbm.at[idxx_v.at[s]], bufa[b], ga[b])
            pltpu.async_copy(wy_hbm.at[idxy_v.at[s]], bufb[b], gb[b])

        def wait_gathers(k, b):
            s = pl.ds(k * c, c)
            pltpu.make_async_copy(wx_hbm.at[idxx_v.at[s]], bufa[b], ga[b]).wait()
            pltpu.make_async_copy(wy_hbm.at[idxy_v.at[s]], bufb[b], gb[b]).wait()

        def wait_wb(k, b):
            pltpu.make_async_copy(
                bufa[b], out_hbm.at[pl.ds(base + k * c, c)], wb[b]).wait()

        fire_gathers(0, 0)

        def pair(k2, carry):
            for b in (0, 1):
                k = 2 * k2 + b
                b1 = 1 - b

                @pl.when(k >= 1)
                def _():
                    wait_wb(k - 1, b1)

                @pl.when(k + 1 < n_chunks)
                def _():
                    fire_gathers(k + 1, b1)

                wait_gathers(k, b)

                @plsc.parallel_loop(0, c, unroll=8)
                def add_row(i):
                    for j in range(D // 16):
                        s = pl.ds(j * 16, 16)
                        bufa[b][i, s] = bufa[b][i, s] + bufb[b][i, s]

                pltpu.async_copy(
                    bufa[b], out_hbm.at[pl.ds(base + k * c, c)], wb[b])
            return carry

        lax.fori_loop(0, n_chunks // 2, pair, 0)
        wait_wb(n_chunks - 1, 1)

    return pl.kernel(
        body,
        out_type=jax.ShapeDtypeStruct((n, D), jnp.float32),
        mesh=mesh,
        compiler_params=pltpu.CompilerParams(use_tc_tiling_on_sc=False),
        scratch_types=[
            pltpu.VMEM((per_w,), jnp.int32),
            pltpu.VMEM((per_w,), jnp.int32),
            pltpu.VMEM((c, D), jnp.float32),
            pltpu.VMEM((c, D), jnp.float32),
            pltpu.VMEM((c, D), jnp.float32),
            pltpu.VMEM((c, D), jnp.float32),
            pltpu.SemaphoreType.DMA,
            pltpu.SemaphoreType.DMA,
            pltpu.SemaphoreType.DMA,
            pltpu.SemaphoreType.DMA,
            pltpu.SemaphoreType.DMA,
            pltpu.SemaphoreType.DMA,
        ],
    )(ix, iy, wx, wy)


def kernel(x_coord, Wx, Wy):
    b, l, _ = x_coord.shape
    n = b * l
    ix = x_coord[..., 0].reshape(n)
    iy = x_coord[..., 1].reshape(n)
    out = _lookup_sum(ix, iy, Wx, Wy, n, 256)
    return out.reshape(b, l, D)

# --- scband reference (transcript-rebuilt; emitter-appended) ---
"""Pipeline reference for scband-location-embedding-83459804496327 (READ-ONLY COPY).

The authoritative reference and input builder live on the scoring server;
editing this copy changes nothing except your own understanding.
"""

import math
import jax, jax.numpy as jnp
import numpy as np

N_COORD = 10000000000
D_MODEL = 64
GRID = int(math.sqrt(N_COORD))  # 100000
B, L = 4096, 200

def setup_inputs(seed: int = 0) -> dict:
    key = jax.random.key(seed)
    k1, k2, k3 = jax.random.split(key, 3)
    x_coord = jax.random.randint(k1, (B, L, 2), 0, GRID, dtype=jnp.int64 if jax.config.jax_enable_x64 else jnp.int32).astype(jnp.int32)
    Wx = jax.random.normal(k2, (GRID, D_MODEL), dtype=jnp.float32)
    Wy = jax.random.normal(k3, (GRID, D_MODEL), dtype=jnp.float32)
    return {"x_coord": x_coord, "Wx": Wx, "Wy": Wy}

def reference(x_coord, Wx, Wy):
    idx_x = x_coord[:, :, 0]
    idx_y = x_coord[:, :, 1]
    emb_x = jnp.take(Wx, idx_x, axis=0)
    emb_y = jnp.take(Wy, idx_y, axis=0)
    return emb_x + emb_y

if __name__ == "__main__":
    import jax
    _d = setup_inputs()
    print(jax.jit(kernel)(*tuple(_d.values())))

</pallas_src>

<mosaic_0001>
#map = affine_map<(d0, d1) -> (0)>
#map1 = affine_map<(d0, d1) -> (0, 0)>
module attributes {stable_mosaic.version = 14 : i64} {
  func.func @body(%arg0: i32, %arg1: i32, %arg2: memref<819200xi32, #tpu.memory_space<hbm>>, %arg3: memref<819200xi32, #tpu.memory_space<hbm>>, %arg4: memref<100000x64xf32, #tpu.memory_space<hbm>>, %arg5: memref<100000x64xf32, #tpu.memory_space<hbm>>, %arg6: memref<819200x64xf32, #tpu.memory_space<hbm>>, %arg7: memref<25600xi32, #tpu.memory_space<vmem>>, %arg8: memref<25600xi32, #tpu.memory_space<vmem>>, %arg9: memref<256x64xf32, #tpu.memory_space<vmem>>, %arg10: memref<256x64xf32, #tpu.memory_space<vmem>>, %arg11: memref<256x64xf32, #tpu.memory_space<vmem>>, %arg12: memref<256x64xf32, #tpu.memory_space<vmem>>, %arg13: memref<!tpu.dma_semaphore, #tpu.memory_space<semaphore_mem>>, %arg14: memref<!tpu.dma_semaphore, #tpu.memory_space<semaphore_mem>>, %arg15: memref<!tpu.dma_semaphore, #tpu.memory_space<semaphore_mem>>, %arg16: memref<!tpu.dma_semaphore, #tpu.memory_space<semaphore_mem>>, %arg17: memref<!tpu.dma_semaphore, #tpu.memory_space<semaphore_mem>>, %arg18: memref<!tpu.dma_semaphore, #tpu.memory_space<semaphore_mem>>) attributes {dimension_semantics = [#tpu.dimension_semantics<core_parallel>, #tpu.dimension_semantics<subcore_parallel>], iteration_bounds = array<i64: 2, 16>, scalar_prefetch = 0 : i64, scratch_operands = 12 : i64, tpu.core_type = #tpu.core_type<sc_vector_subcore>, window_params = [{transform_indices = #map}, {transform_indices = #map}, {transform_indices = #map1}, {transform_indices = #map1}, {transform_indices = #map1}]} {
    %mul3A = arith.constant 2 : i32
    %mul3A_0 = arith.muli %arg1, %mul3A : i32
    %add3A = arith.addi %mul3A_0, %arg0 : i32
    %mul3A_1 = arith.constant 25600 : i32
    %mul3A_2 = arith.muli %add3A, %mul3A_1 : i32
    "tpu.region"() ({
      %run_scoped3A = tpu.sem_alloc : memref<!tpu.dma_semaphore, #tpu.memory_space<semaphore_mem>>
      %dma_start3A_22 = tpu.memref_slice %arg2[%mul3A_2] : memref<819200xi32, #tpu.memory_space<hbm>> -> memref<25600xi32, #tpu.memory_space<hbm>>
      %dma_start3A_23 = tpu.memref_slice %arg2[%mul3A_2] : memref<819200xi32, #tpu.memory_space<hbm>> -> memref<25600xi32, #tpu.memory_space<hbm>>
      tpu.enqueue_dma source(%dma_start3A_23 : memref<25600xi32, #tpu.memory_space<hbm>>) target(%arg7 : memref<25600xi32, #tpu.memory_space<vmem>>) target_semaphore(%run_scoped3A : memref<!tpu.dma_semaphore, #tpu.memory_space<semaphore_mem>>)
      %dma_wait3A_24 = tpu.memref_slice %arg2[%mul3A_2] : memref<819200xi32, #tpu.memory_space<hbm>> -> memref<25600xi32, #tpu.memory_space<hbm>>
      %dma_wait3A_25 = tpu.memref_slice %arg2[%mul3A_2] : memref<819200xi32, #tpu.memory_space<hbm>> -> memref<25600xi32, #tpu.memory_space<hbm>>
      tpu.wait_dma2 semaphore(%run_scoped3A : memref<!tpu.dma_semaphore, #tpu.memory_space<semaphore_mem>>) src(%dma_wait3A_25 : memref<25600xi32, #tpu.memory_space<hbm>>) dst(%arg7 : memref<25600xi32, #tpu.memory_space<vmem>>)
      tpu.yield
    }) : () -> ()
    "tpu.region"() ({
      %run_scoped3A = tpu.sem_alloc : memref<!tpu.dma_semaphore, #tpu.memory_space<semaphore_mem>>
      %dma_start3A_22 = tpu.memref_slice %arg3[%mul3A_2] : memref<819200xi32, #tpu.memory_space<hbm>> -> memref<25600xi32, #tpu.memory_space<hbm>>
      %dma_start3A_23 = tpu.memref_slice %arg3[%mul3A_2] : memref<819200xi32, #tpu.memory_space<hbm>> -> memref<25600xi32, #tpu.memory_space<hbm>>
      tpu.enqueue_dma source(%dma_start3A_23 : memref<25600xi32, #tpu.memory_space<hbm>>) target(%arg8 : memref<25600xi32, #tpu.memory_space<vmem>>) target_semaphore(%run_scoped3A : memref<!tpu.dma_semaphore, #tpu.memory_space<semaphore_mem>>)
      %dma_wait3A_24 = tpu.memref_slice %arg3[%mul3A_2] : memref<819200xi32, #tpu.memory_space<hbm>> -> memref<25600xi32, #tpu.memory_space<hbm>>
      %dma_wait3A_25 = tpu.memref_slice %arg3[%mul3A_2] : memref<819200xi32, #tpu.memory_space<hbm>> -> memref<25600xi32, #tpu.memory_space<hbm>>
      tpu.wait_dma2 semaphore(%run_scoped3A : memref<!tpu.dma_semaphore, #tpu.memory_space<semaphore_mem>>) src(%dma_wait3A_25 : memref<25600xi32, #tpu.memory_space<hbm>>) dst(%arg8 : memref<25600xi32, #tpu.memory_space<vmem>>)
      tpu.yield
    }) : () -> ()
    %dma_start3A = arith.constant 0 : i32
    %dma_start3A_3 = tpu.memref_slice %arg7[%dma_start3A] : memref<25600xi32, #tpu.memory_space<vmem>> -> memref<256xi32, #tpu.memory_space<vmem>>
    %dma_start3A_4 = arith.constant 0 : i32
    %dma_start3A_5 = arith.constant 0 : i32
    %dma_start3A_6 = tpu.memref_slice %arg4[%dma_start3A_4, %dma_start3A_5] : memref<100000x64xf32, #tpu.memory_space<hbm>> -> memref<100000x64xf32, #tpu.memory_space<hbm>>
    tpu.enqueue_indirect_dma source(%dma_start3A_6 : memref<100000x64xf32, #tpu.memory_space<hbm>>) target(%arg9 : memref<256x64xf32, #tpu.memory_space<vmem>>) offsets(%dma_start3A_3 : memref<256xi32, #tpu.memory_space<vmem>>) semaphore(%arg13 : memref<!tpu.dma_semaphore, #tpu.memory_space<semaphore_mem>>)
    %dma_start3A_7 = arith.constant 0 : i32
    %dma_start3A_8 = tpu.memref_slice %arg8[%dma_start3A_7] : memref<25600xi32, #tpu.memory_space<vmem>> -> memref<256xi32, #tpu.memory_space<vmem>>
    %dma_start3A_9 = arith.constant 0 : i32
    %dma_start3A_10 = arith.constant 0 : i32
    %dma_start3A_11 = tpu.memref_slice %arg5[%dma_start3A_9, %dma_start3A_10] : memref<100000x64xf32, #tpu.memory_space<hbm>> -> memref<100000x64xf32, #tpu.memory_space<hbm>>
    tpu.enqueue_indirect_dma source(%dma_start3A_11 : memref<100000x64xf32, #tpu.memory_space<hbm>>) target(%arg11 : memref<256x64xf32, #tpu.memory_space<vmem>>) offsets(%dma_start3A_8 : memref<256xi32, #tpu.memory_space<vmem>>) semaphore(%arg15 : memref<!tpu.dma_semaphore, #tpu.memory_space<semaphore_mem>>)
    %scan3A = arith.constant 0 : i32
    %scan3A_12 = arith.constant 0 : i32
    %scan3A_13 = arith.constant 50 : i32
    %scan3A_14 = arith.addi %scan3A_12, %scan3A_13 : i32
    %scan3A_15 = arith.constant 1 : i32
    scf.for %scan3A_22 = %scan3A_12 to %scan3A_14 step %scan3A_15  : i32 {
      %mul3A_23 = arith.constant 2 : i32
      %mul3A_24 = arith.muli %mul3A_23, %scan3A_22 : i32
      %add3A_25 = arith.constant 0 : i32
      %add3A_26 = arith.addi %mul3A_24, %add3A_25 : i32
      %ge3A = arith.constant 1 : i32
      %ge3A_27 = arith.cmpi sge, %add3A_26, %ge3A : i32
      %convert_element_type3A = arith.extui %ge3A_27 : i1 to i32
      %cond3A = arith.constant 0 : i32
      %cond3A_28 = arith.cmpi ne, %convert_element_type3A, %cond3A : i32
      scf.if %cond3A_28 {
        %sub3A = arith.constant 1 : i32
        %sub3A_90 = arith.subi %add3A_26, %sub3A : i32
        %mul3A_91 = arith.constant 256 : i32
        %mul3A_92 = arith.muli %sub3A_90, %mul3A_91 : i32
        %add3A_93 = arith.addi %mul3A_2, %mul3A_92 : i32
        %dma_wait3A_94 = arith.constant 0 : i32
        %dma_wait3A_95 = tpu.memref_slice %arg6[%add3A_93, %dma_wait3A_94] : memref<819200x64xf32, #tpu.memory_space<hbm>> -> memref<256x64xf32, #tpu.memory_space<hbm>>
        %dma_wait3A_96 = arith.constant 0 : i32
        %dma_wait3A_97 = tpu.memref_slice %arg6[%add3A_93, %dma_wait3A_96] : memref<819200x64xf32, #tpu.memory_space<hbm>> -> memref<256x64xf32, #tpu.memory_space<hbm>>
        tpu.wait_dma2 semaphore(%arg18 : memref<!tpu.dma_semaphore, #tpu.memory_space<semaphore_mem>>) src(%arg10 : memref<256x64xf32, #tpu.memory_space<vmem>>) dst(%dma_wait3A_97 : memref<256x64xf32, #tpu.memory_space<hbm>>)
      } else {
      }
      %add3A_29 = arith.constant 1 : i32
      %add3A_30 = arith.addi %add3A_26, %add3A_29 : i32
      %lt3A = arith.constant 100 : i32
      %lt3A_31 = arith.cmpi slt, %add3A_30, %lt3A : i32
      %convert_element_type3A_32 = arith.extui %lt3A_31 : i1 to i32
      %cond3A_33 = arith.constant 0 : i32
      %cond3A_34 = arith.cmpi ne, %convert_element_type3A_32, %cond3A_33 : i32
      scf.if %cond3A_34 {
        %add3A_90 = arith.constant 1 : i32
        %add3A_91 = arith.addi %add3A_26, %add3A_90 : i32
        %mul3A_92 = arith.constant 256 : i32
        %mul3A_93 = arith.muli %add3A_91, %mul3A_92 : i32
        %dma_start3A_94 = tpu.memref_slice %arg7[%mul3A_93] : memref<25600xi32, #tpu.memory_space<vmem>> -> memref<256xi32, #tpu.memory_space<vmem>>
        %dma_start3A_95 = arith.constant 0 : i32
        %dma_start3A_96 = arith.constant 0 : i32
        %dma_start3A_97 = tpu.memref_slice %arg4[%dma_start3A_95, %dma_start3A_96] : memref<100000x64xf32, #tpu.memory_space<hbm>> -> memref<100000x64xf32, #tpu.memory_space<hbm>>
        tpu.enqueue_indirect_dma source(%dma_start3A_97 : memref<100000x64xf32, #tpu.memory_space<hbm>>) target(%arg10 : memref<256x64xf32, #tpu.memory_space<vmem>>) offsets(%dma_start3A_94 : memref<256xi32, #tpu.memory_space<vmem>>) semaphore(%arg14 : memref<!tpu.dma_semaphore, #tpu.memory_space<semaphore_mem>>)
        %dma_start3A_98 = tpu.memref_slice %arg8[%mul3A_93] : memref<25600xi32, #tpu.memory_space<vmem>> -> memref<256xi32, #tpu.memory_space<vmem>>
        %dma_start3A_99 = arith.constant 0 : i32
        %dma_start3A_100 = arith.constant 0 : i32
        %dma_start3A_101 = tpu.memref_slice %arg5[%dma_start3A_99, %dma_start3A_100] : memref<100000x64xf32, #tpu.memory_space<hbm>> -> memref<100000x64xf32, #tpu.memory_space<hbm>>
        tpu.enqueue_indirect_dma source(%dma_start3A_101 : memref<100000x64xf32, #tpu.memory_space<hbm>>) target(%arg12 : memref<256x64xf32, #tpu.memory_space<vmem>>) offsets(%dma_start3A_98 : memref<256xi32, #tpu.memory_space<vmem>>) semaphore(%arg16 : memref<!tpu.dma_semaphore, #tpu.memory_space<semaphore_mem>>)
      } else {
      }
      %mul3A_35 = arith.constant 256 : i32
      %mul3A_36 = arith.muli %add3A_26, %mul3A_35 : i32
      %dma_wait3A_37 = tpu.memref_slice %arg7[%mul3A_36] : memref<25600xi32, #tpu.memory_space<vmem>> -> memref<256xi32, #tpu.memory_space<vmem>>
      %dma_wait3A_38 = arith.constant 0 : i32
      %dma_wait3A_39 = arith.constant 0 : i32
      %dma_wait3A_40 = tpu.memref_slice %arg4[%dma_wait3A_38, %dma_wait3A_39] : memref<100000x64xf32, #tpu.memory_space<hbm>> -> memref<100000x64xf32, #tpu.memory_space<hbm>>
      tpu.wait_indirect_dma semaphore(%arg13 : memref<!tpu.dma_semaphore, #tpu.memory_space<semaphore_mem>>) src(%dma_wait3A_40 : memref<100000x64xf32, #tpu.memory_space<hbm>>) dst(%arg9 : memref<256x64xf32, #tpu.memory_space<vmem>>)
      %dma_wait3A_41 = tpu.memref_slice %arg8[%mul3A_36] : memref<25600xi32, #tpu.memory_space<vmem>> -> memref<256xi32, #tpu.memory_space<vmem>>
      %dma_wait3A_42 = arith.constant 0 : i32
      %dma_wait3A_43 = arith.constant 0 : i32
      %dma_wait3A_44 = tpu.memref_slice %arg5[%dma_wait3A_42, %dma_wait3A_43] : memref<100000x64xf32, #tpu.memory_space<hbm>> -> memref<100000x64xf32, #tpu.memory_space<hbm>>
      tpu.wait_indirect_dma semaphore(%arg15 : memref<!tpu.dma_semaphore, #tpu.memory_space<semaphore_mem>>) src(%dma_wait3A_44 : memref<100000x64xf32, #tpu.memory_space<hbm>>) dst(%arg11 : memref<256x64xf32, #tpu.memory_space<vmem>>)
      %parallel_loop3A = arith.constant 0 : i32
      %parallel_loop3A_45 = arith.constant 256 : i32
      %parallel_loop3A_46 = arith.constant 1 : i32
      scf.for %parallel_loop3A_90 = %parallel_loop3A to %parallel_loop3A_45 step %parallel_loop3A_46  : i32 {
        %parallel_loop3A_91 = arith.index_cast %parallel_loop3A_90 : i32 to index
        %parallel_loop3A_92 = arith.constant 0 : index
        %parallel_loop3A_93 = tpu.vector_load %arg9[%parallel_loop3A_91, %parallel_loop3A_92] {strides = array<i32>} : memref<256x64xf32, #tpu.memory_space<vmem>>, vector<1x16xf32>,
        %parallel_loop3A_94 = vector.shape_cast %parallel_loop3A_93 : vector<1x16xf32> to vector<16xf32>
        %parallel_loop3A_95 = arith.index_cast %parallel_loop3A_90 : i32 to index
        %parallel_loop3A_96 = arith.constant 0 : index
        %parallel_loop3A_97 = tpu.vector_load %arg11[%parallel_loop3A_95, %parallel_loop3A_96] {strides = array<i32>} : memref<256x64xf32, #tpu.memory_space<vmem>>, vector<1x16xf32>,
        %parallel_loop3A_98 = vector.shape_cast %parallel_loop3A_97 : vector<1x16xf32> to vector<16xf32>
        %parallel_loop3A_99 = arith.addf %parallel_loop3A_94, %parallel_loop3A_98 : vector<16xf32>
        %parallel_loop3A_100 = arith.index_cast %parallel_loop3A_90 : i32 to index
        %parallel_loop3A_101 = arith.constant 0 : index
        %parallel_loop3A_102 = tpu.vector_load %arg9[%parallel_loop3A_100, %parallel_loop3A_101] {strides = array<i32>} : memref<256x64xf32, #tpu.memory_space<vmem>>, vector<1x16xf32>,
        %parallel_loop3A_103 = vector.shape_cast %parallel_loop3A_102 : vector<1x16xf32> to vector<16xf32>
        %parallel_loop3A_104 = vector.shape_cast %parallel_loop3A_99 : vector<16xf32> to vector<1x16xf32>
        tpu.vector_store %arg9[%parallel_loop3A_100, %parallel_loop3A_101], %parallel_loop3A_104 {strides = array<i32>} : memref<256x64xf32, #tpu.memory_space<vmem>>, vector<1x16xf32>,
        %parallel_loop3A_105 = arith.index_cast %parallel_loop3A_90 : i32 to index
        %parallel_loop3A_106 = arith.constant 16 : index
        %parallel_loop3A_107 = tpu.vector_load %arg9[%parallel_loop3A_105, %parallel_loop3A_106] {strides = array<i32>} : memref<256x64xf32, #tpu.memory_space<vmem>>, vector<1x16xf32>,
        %parallel_loop3A_108 = vector.shape_cast %parallel_loop3A_107 : vector<1x16xf32> to vector<16xf32>
        %parallel_loop3A_109 = arith.index_cast %parallel_loop3A_90 : i32 to index
        %parallel_loop3A_110 = arith.constant 16 : index
        %parallel_loop3A_111 = tpu.vector_load %arg11[%parallel_loop3A_109, %parallel_loop3A_110] {strides = array<i32>} : memref<256x64xf32, #tpu.memory_space<vmem>>, vector<1x16xf32>,
        %parallel_loop3A_112 = vector.shape_cast %parallel_loop3A_111 : vector<1x16xf32> to vector<16xf32>
        %parallel_loop3A_113 = arith.addf %parallel_loop3A_108, %parallel_loop3A_112 : vector<16xf32>
        %parallel_loop3A_114 = arith.index_cast %parallel_loop3A_90 : i32 to index
        %parallel_loop3A_115 = arith.constant 16 : index
        %parallel_loop3A_116 = tpu.vector_load %arg9[%parallel_loop3A_114, %parallel_loop3A_115] {strides = array<i32>} : memref<256x64xf32, #tpu.memory_space<vmem>>, vector<1x16xf32>,
        %parallel_loop3A_117 = vector.shape_cast %parallel_loop3A_116 : vector<1x16xf32> to vector<16xf32>
        %parallel_loop3A_118 = vector.shape_cast %parallel_loop3A_113 : vector<16xf32> to vector<1x16xf32>
        tpu.vector_store %arg9[%parallel_loop3A_114, %parallel_loop3A_115], %parallel_loop3A_118 {strides = array<i32>} : memref<256x64xf32, #tpu.memory_space<vmem>>, vector<1x16xf32>,
        %parallel_loop3A_119 = arith.index_cast %parallel_loop3A_90 : i32 to index
        %parallel_loop3A_120 = arith.constant 32 : index
        %parallel_loop3A_121 = tpu.vector_load %arg9[%parallel_loop3A_119, %parallel_loop3A_120] {strides = array<i32>} : memref<256x64xf32, #tpu.memory_space<vmem>>, vector<1x16xf32>,
        %parallel_loop3A_122 = vector.shape_cast %parallel_loop3A_121 : vector<1x16xf32> to vector<16xf32>
        %parallel_loop3A_123 = arith.index_cast %parallel_loop3A_90 : i32 to index
        %parallel_loop3A_124 = arith.constant 32 : index
        %parallel_loop3A_125 = tpu.vector_load %arg11[%parallel_loop3A_123, %parallel_loop3A_124] {strides = array<i32>} : memref<256x64xf32, #tpu.memory_space<vmem>>, vector<1x16xf32>,
        %parallel_loop3A_126 = vector.shape_cast %parallel_loop3A_125 : vector<1x16xf32> to vector<16xf32>
        %parallel_loop3A_127 = arith.addf %parallel_loop3A_122, %parallel_loop3A_126 : vector<16xf32>
        %parallel_loop3A_128 = arith.index_cast %parallel_loop3A_90 : i32 to index
        %parallel_loop3A_129 = arith.constant 32 : index
        %parallel_loop3A_130 = tpu.vector_load %arg9[%parallel_loop3A_128, %parallel_loop3A_129] {strides = array<i32>} : memref<256x64xf32, #tpu.memory_space<vmem>>, vector<1x16xf32>,
        %parallel_loop3A_131 = vector.shape_cast %parallel_loop3A_130 : vector<1x16xf32> to vector<16xf32>
        %parallel_loop3A_132 = vector.shape_cast %parallel_loop3A_127 : vector<16xf32> to vector<1x16xf32>
        tpu.vector_store %arg9[%parallel_loop3A_128, %parallel_loop3A_129], %parallel_loop3A_132 {strides = array<i32>} : memref<256x64xf32, #tpu.memory_space<vmem>>, vector<1x16xf32>,
        %parallel_loop3A_133 = arith.index_cast %parallel_loop3A_90 : i32 to index
        %parallel_loop3A_134 = arith.constant 48 : index
        %parallel_loop3A_135 = tpu.vector_load %arg9[%parallel_loop3A_133, %parallel_loop3A_134] {strides = array<i32>} : memref<256x64xf32, #tpu.memory_space<vmem>>, vector<1x16xf32>,
        %parallel_loop3A_136 = vector.shape_cast %parallel_loop3A_135 : vector<1x16xf32> to vector<16xf32>
        %parallel_loop3A_137 = arith.index_cast %parallel_loop3A_90 : i32 to index
        %parallel_loop3A_138 = arith.constant 48 : index
        %parallel_loop3A_139 = tpu.vector_load %arg11[%parallel_loop3A_137, %parallel_loop3A_138] {strides = array<i32>} : memref<256x64xf32, #tpu.memory_space<vmem>>, vector<1x16xf32>,
        %parallel_loop3A_140 = vector.shape_cast %parallel_loop3A_139 : vector<1x16xf32> to vector<16xf32>
        %parallel_loop3A_141 = arith.addf %parallel_loop3A_136, %parallel_loop3A_140 : vector<16xf32>
        %parallel_loop3A_142 = arith.index_cast %parallel_loop3A_90 : i32 to index
        %parallel_loop3A_143 = arith.constant 48 : index
        %parallel_loop3A_144 = tpu.vector_load %arg9[%parallel_loop3A_142, %parallel_loop3A_143] {strides = array<i32>} : memref<256x64xf32, #tpu.memory_space<vmem>>, vector<1x16xf32>,
        %parallel_loop3A_145 = vector.shape_cast %parallel_loop3A_144 : vector<1x16xf32> to vector<16xf32>
        %parallel_loop3A_146 = vector.shape_cast %parallel_loop3A_141 : vector<16xf32> to vector<1x16xf32>
        tpu.vector_store %arg9[%parallel_loop3A_142, %parallel_loop3A_143], %parallel_loop3A_146 {strides = array<i32>} : memref<256x64xf32, #tpu.memory_space<vmem>>, vector<1x16xf32>,
      } {sc.loop_unroll_factor = 8 : i64, sc.parallel_access}
      %mul3A_47 = arith.constant 256 : i32
      %mul3A_48 = arith.muli %add3A_26, %mul3A_47 : i32
      %add3A_49 = arith.addi %mul3A_2, %mul3A_48 : i32
      %dma_start3A_50 = arith.constant 0 : i32
      %dma_start3A_51 = tpu.memref_slice %arg6[%add3A_49, %dma_start3A_50] : memref<819200x64xf32, #tpu.memory_space<hbm>> -> memref<256x64xf32, #tpu.memory_space<hbm>>
      %dma_start3A_52 = arith.constant 0 : i32
      %dma_start3A_53 = tpu.memref_slice %arg6[%add3A_49, %dma_start3A_52] : memref<819200x64xf32, #tpu.memory_space<hbm>> -> memref<256x64xf32, #tpu.memory_space<hbm>>
      tpu.enqueue_dma source(%arg9 : memref<256x64xf32, #tpu.memory_space<vmem>>) target(%dma_start3A_53 : memref<256x64xf32, #tpu.memory_space<hbm>>) target_semaphore(%arg17 : memref<!tpu.dma_semaphore, #tpu.memory_space<semaphore_mem>>)
      %mul3A_54 = arith.constant 2 : i32
      %mul3A_55 = arith.muli %mul3A_54, %scan3A_22 : i32
      %add3A_56 = arith.constant 1 : i32
      %add3A_57 = arith.addi %mul3A_55, %add3A_56 : i32
      %ge3A_58 = arith.constant 1 : i32
      %ge3A_59 = arith.cmpi sge, %add3A_57, %ge3A_58 : i32
      %convert_element_type3A_60 = arith.extui %ge3A_59 : i1 to i32
      %cond3A_61 = arith.constant 0 : i32
      %cond3A_62 = arith.cmpi ne, %convert_element_type3A_60, %cond3A_61 : i32
      scf.if %cond3A_62 {
        %sub3A = arith.constant 1 : i32
        %sub3A_90 = arith.subi %add3A_57, %sub3A : i32
        %mul3A_91 = arith.constant 256 : i32
        %mul3A_92 = arith.muli %sub3A_90, %mul3A_91 : i32
        %add3A_93 = arith.addi %mul3A_2, %mul3A_92 : i32
        %dma_wait3A_94 = arith.constant 0 : i32
        %dma_wait3A_95 = tpu.memref_slice %arg6[%add3A_93, %dma_wait3A_94] : memref<819200x64xf32, #tpu.memory_space<hbm>> -> memref<256x64xf32, #tpu.memory_space<hbm>>
        %dma_wait3A_96 = arith.constant 0 : i32
        %dma_wait3A_97 = tpu.memref_slice %arg6[%add3A_93, %dma_wait3A_96] : memref<819200x64xf32, #tpu.memory_space<hbm>> -> memref<256x64xf32, #tpu.memory_space<hbm>>
        tpu.wait_dma2 semaphore(%arg17 : memref<!tpu.dma_semaphore, #tpu.memory_space<semaphore_mem>>) src(%arg9 : memref<256x64xf32, #tpu.memory_space<vmem>>) dst(%dma_wait3A_97 : memref<256x64xf32, #tpu.memory_space<hbm>>)
      } else {
      }
      %add3A_63 = arith.constant 1 : i32
      %add3A_64 = arith.addi %add3A_57, %add3A_63 : i32
      %lt3A_65 = arith.constant 100 : i32
      %lt3A_66 = arith.cmpi slt, %add3A_64, %lt3A_65 : i32
      %convert_element_type3A_67 = arith.extui %lt3A_66 : i1 to i32
      %cond3A_68 = arith.constant 0 : i32
      %cond3A_69 = arith.cmpi ne, %convert_element_type3A_67, %cond3A_68 : i32
      scf.if %cond3A_69 {
        %add3A_90 = arith.constant 1 : i32
        %add3A_91 = arith.addi %add3A_57, %add3A_90 : i32
        %mul3A_92 = arith.constant 256 : i32
        %mul3A_93 = arith.muli %add3A_91, %mul3A_92 : i32
        %dma_start3A_94 = tpu.memref_slice %arg7[%mul3A_93] : memref<25600xi32, #tpu.memory_space<vmem>> -> memref<256xi32, #tpu.memory_space<vmem>>
        %dma_start3A_95 = arith.constant 0 : i32
        %dma_start3A_96 = arith.constant 0 : i32
        %dma_start3A_97 = tpu.memref_slice %arg4[%dma_start3A_95, %dma_start3A_96] : memref<100000x64xf32, #tpu.memory_space<hbm>> -> memref<100000x64xf32, #tpu.memory_space<hbm>>
        tpu.enqueue_indirect_dma source(%dma_start3A_97 : memref<100000x64xf32, #tpu.memory_space<hbm>>) target(%arg9 : memref<256x64xf32, #tpu.memory_space<vmem>>) offsets(%dma_start3A_94 : memref<256xi32, #tpu.memory_space<vmem>>) semaphore(%arg13 : memref<!tpu.dma_semaphore, #tpu.memory_space<semaphore_mem>>)
        %dma_start3A_98 = tpu.memref_slice %arg8[%mul3A_93] : memref<25600xi32, #tpu.memory_space<vmem>> -> memref<256xi32, #tpu.memory_space<vmem>>
        %dma_start3A_99 = arith.constant 0 : i32
        %dma_start3A_100 = arith.constant 0 : i32
        %dma_start3A_101 = tpu.memref_slice %arg5[%dma_start3A_99, %dma_start3A_100] : memref<100000x64xf32, #tpu.memory_space<hbm>> -> memref<100000x64xf32, #tpu.memory_space<hbm>>
        tpu.enqueue_indirect_dma source(%dma_start3A_101 : memref<100000x64xf32, #tpu.memory_space<hbm>>) target(%arg11 : memref<256x64xf32, #tpu.memory_space<vmem>>) offsets(%dma_start3A_98 : memref<256xi32, #tpu.memory_space<vmem>>) semaphore(%arg15 : memref<!tpu.dma_semaphore, #tpu.memory_space<semaphore_mem>>)
      } else {
      }
      %mul3A_70 = arith.constant 256 : i32
      %mul3A_71 = arith.muli %add3A_57, %mul3A_70 : i32
      %dma_wait3A_72 = tpu.memref_slice %arg7[%mul3A_71] : memref<25600xi32, #tpu.memory_space<vmem>> -> memref<256xi32, #tpu.memory_space<vmem>>
      %dma_wait3A_73 = arith.constant 0 : i32
      %dma_wait3A_74 = arith.constant 0 : i32
      %dma_wait3A_75 = tpu.memref_slice %arg4[%dma_wait3A_73, %dma_wait3A_74] : memref<100000x64xf32, #tpu.memory_space<hbm>> -> memref<100000x64xf32, #tpu.memory_space<hbm>>
      tpu.wait_indirect_dma semaphore(%arg14 : memref<!tpu.dma_semaphore, #tpu.memory_space<semaphore_mem>>) src(%dma_wait3A_75 : memref<100000x64xf32, #tpu.memory_space<hbm>>) dst(%arg10 : memref<256x64xf32, #tpu.memory_space<vmem>>)
      %dma_wait3A_76 = tpu.memref_slice %arg8[%mul3A_71] : memref<25600xi32, #tpu.memory_space<vmem>> -> memref<256xi32, #tpu.memory_space<vmem>>
      %dma_wait3A_77 = arith.constant 0 : i32
      %dma_wait3A_78 = arith.constant 0 : i32
      %dma_wait3A_79 = tpu.memref_slice %arg5[%dma_wait3A_77, %dma_wait3A_78] : memref<100000x64xf32, #tpu.memory_space<hbm>> -> memref<100000x64xf32, #tpu.memory_space<hbm>>
      tpu.wait_indirect_dma semaphore(%arg16 : memref<!tpu.dma_semaphore, #tpu.memory_space<semaphore_mem>>) src(%dma_wait3A_79 : memref<100000x64xf32, #tpu.memory_space<hbm>>) dst(%arg12 : memref<256x64xf32, #tpu.memory_space<vmem>>)
      %parallel_loop3A_80 = arith.constant 0 : i32
      %parallel_loop3A_81 = arith.constant 256 : i32
      %parallel_loop3A_82 = arith.constant 1 : i32
      scf.for %parallel_loop3A_90 = %parallel_loop3A_80 to %parallel_loop3A_81 step %parallel_loop3A_82  : i32 {
        %parallel_loop3A_91 = arith.index_cast %parallel_loop3A_90 : i32 to index
        %parallel_loop3A_92 = arith.constant 0 : index
        %parallel_loop3A_93 = tpu.vector_load %arg10[%parallel_loop3A_91, %parallel_loop3A_92] {strides = array<i32>} : memref<256x64xf32, #tpu.memory_space<vmem>>, vector<1x16xf32>,
        %parallel_loop3A_94 = vector.shape_cast %parallel_loop3A_93 : vector<1x16xf32> to vector<16xf32>
        %parallel_loop3A_95 = arith.index_cast %parallel_loop3A_90 : i32 to index
        %parallel_loop3A_96 = arith.constant 0 : index
        %parallel_loop3A_97 = tpu.vector_load %arg12[%parallel_loop3A_95, %parallel_loop3A_96] {strides = array<i32>} : memref<256x64xf32, #tpu.memory_space<vmem>>, vector<1x16xf32>,
        %parallel_loop3A_98 = vector.shape_cast %parallel_loop3A_97 : vector<1x16xf32> to vector<16xf32>
        %parallel_loop3A_99 = arith.addf %parallel_loop3A_94, %parallel_loop3A_98 : vector<16xf32>
        %parallel_loop3A_100 = arith.index_cast %parallel_loop3A_90 : i32 to index
        %parallel_loop3A_101 = arith.constant 0 : index
        %parallel_loop3A_102 = tpu.vector_load %arg10[%parallel_loop3A_100, %parallel_loop3A_101] {strides = array<i32>} : memref<256x64xf32, #tpu.memory_space<vmem>>, vector<1x16xf32>,
        %parallel_loop3A_103 = vector.shape_cast %parallel_loop3A_102 : vector<1x16xf32> to vector<16xf32>
        %parallel_loop3A_104 = vector.shape_cast %parallel_loop3A_99 : vector<16xf32> to vector<1x16xf32>
        tpu.vector_store %arg10[%parallel_loop3A_100, %parallel_loop3A_101], %parallel_loop3A_104 {strides = array<i32>} : memref<256x64xf32, #tpu.memory_space<vmem>>, vector<1x16xf32>,
        %parallel_loop3A_105 = arith.index_cast %parallel_loop3A_90 : i32 to index
        %parallel_loop3A_106 = arith.constant 16 : index
        %parallel_loop3A_107 = tpu.vector_load %arg10[%parallel_loop3A_105, %parallel_loop3A_106] {strides = array<i32>} : memref<256x64xf32, #tpu.memory_space<vmem>>, vector<1x16xf32>,
        %parallel_loop3A_108 = vector.shape_cast %parallel_loop3A_107 : vector<1x16xf32> to vector<16xf32>
        %parallel_loop3A_109 = arith.index_cast %parallel_loop3A_90 : i32 to index
        %parallel_loop3A_110 = arith.constant 16 : index
        %parallel_loop3A_111 = tpu.vector_load %arg12[%parallel_loop3A_109, %parallel_loop3A_110] {strides = array<i32>} : memref<256x64xf32, #tpu.memory_space<vmem>>, vector<1x16xf32>,
        %parallel_loop3A_112 = vector.shape_cast %parallel_loop3A_111 : vector<1x16xf32> to vector<16xf32>
        %parallel_loop3A_113 = arith.addf %parallel_loop3A_108, %parallel_loop3A_112 : vector<16xf32>
        %parallel_loop3A_114 = arith.index_cast %parallel_loop3A_90 : i32 to index
        %parallel_loop3A_115 = arith.constant 16 : index
        %parallel_loop3A_116 = tpu.vector_load %arg10[%parallel_loop3A_114, %parallel_loop3A_115] {strides = array<i32>} : memref<256x64xf32, #tpu.memory_space<vmem>>, vector<1x16xf32>,
        %parallel_loop3A_117 = vector.shape_cast %parallel_loop3A_116 : vector<1x16xf32> to vector<16xf32>
        %parallel_loop3A_118 = vector.shape_cast %parallel_loop3A_113 : vector<16xf32> to vector<1x16xf32>
        tpu.vector_store %arg10[%parallel_loop3A_114, %parallel_loop3A_115], %parallel_loop3A_118 {strides = array<i32>} : memref<256x64xf32, #tpu.memory_space<vmem>>, vector<1x16xf32>,
        %parallel_loop3A_119 = arith.index_cast %parallel_loop3A_90 : i32 to index
        %parallel_loop3A_120 = arith.constant 32 : index
        %parallel_loop3A_121 = tpu.vector_load %arg10[%parallel_loop3A_119, %parallel_loop3A_120] {strides = array<i32>} : memref<256x64xf32, #tpu.memory_space<vmem>>, vector<1x16xf32>,
        %parallel_loop3A_122 = vector.shape_cast %parallel_loop3A_121 : vector<1x16xf32> to vector<16xf32>
        %parallel_loop3A_123 = arith.index_cast %parallel_loop3A_90 : i32 to index
        %parallel_loop3A_124 = arith.constant 32 : index
        %parallel_loop3A_125 = tpu.vector_load %arg12[%parallel_loop3A_123, %parallel_loop3A_124] {strides = array<i32>} : memref<256x64xf32, #tpu.memory_space<vmem>>, vector<1x16xf32>,
        %parallel_loop3A_126 = vector.shape_cast %parallel_loop3A_125 : vector<1x16xf32> to vector<16xf32>
        %parallel_loop3A_127 = arith.addf %parallel_loop3A_122, %parallel_loop3A_126 : vector<16xf32>
        %parallel_loop3A_128 = arith.index_cast %parallel_loop3A_90 : i32 to index
        %parallel_loop3A_129 = arith.constant 32 : index
        %parallel_loop3A_130 = tpu.vector_load %arg10[%parallel_loop3A_128, %parallel_loop3A_129] {strides = array<i32>} : memref<256x64xf32, #tpu.memory_space<vmem>>, vector<1x16xf32>,
        %parallel_loop3A_131 = vector.shape_cast %parallel_loop3A_130 : vector<1x16xf32> to vector<16xf32>
        %parallel_loop3A_132 = vector.shape_cast %parallel_loop3A_127 : vector<16xf32> to vector<1x16xf32>
        tpu.vector_store %arg10[%parallel_loop3A_128, %parallel_loop3A_129], %parallel_loop3A_132 {strides = array<i32>} : memref<256x64xf32, #tpu.memory_space<vmem>>, vector<1x16xf32>,
        %parallel_loop3A_133 = arith.index_cast %parallel_loop3A_90 : i32 to index
        %parallel_loop3A_134 = arith.constant 48 : index
        %parallel_loop3A_135 = tpu.vector_load %arg10[%parallel_loop3A_133, %parallel_loop3A_134] {strides = array<i32>} : memref<256x64xf32, #tpu.memory_space<vmem>>, vector<1x16xf32>,
        %parallel_loop3A_136 = vector.shape_cast %parallel_loop3A_135 : vector<1x16xf32> to vector<16xf32>
        %parallel_loop3A_137 = arith.index_cast %parallel_loop3A_90 : i32 to index
        %parallel_loop3A_138 = arith.constant 48 : index
        %parallel_loop3A_139 = tpu.vector_load %arg12[%parallel_loop3A_137, %parallel_loop3A_138] {strides = array<i32>} : memref<256x64xf32, #tpu.memory_space<vmem>>, vector<1x16xf32>,
        %parallel_loop3A_140 = vector.shape_cast %parallel_loop3A_139 : vector<1x16xf32> to vector<16xf32>
        %parallel_loop3A_141 = arith.addf %parallel_loop3A_136, %parallel_loop3A_140 : vector<16xf32>
        %parallel_loop3A_142 = arith.index_cast %parallel_loop3A_90 : i32 to index
        %parallel_loop3A_143 = arith.constant 48 : index
        %parallel_loop3A_144 = tpu.vector_load %arg10[%parallel_loop3A_142, %parallel_loop3A_143] {strides = array<i32>} : memref<256x64xf32, #tpu.memory_space<vmem>>, vector<1x16xf32>,
        %parallel_loop3A_145 = vector.shape_cast %parallel_loop3A_144 : vector<1x16xf32> to vector<16xf32>
        %parallel_loop3A_146 = vector.shape_cast %parallel_loop3A_141 : vector<16xf32> to vector<1x16xf32>
        tpu.vector_store %arg10[%parallel_loop3A_142, %parallel_loop3A_143], %parallel_loop3A_146 {strides = array<i32>} : memref<256x64xf32, #tpu.memory_space<vmem>>, vector<1x16xf32>,
      } {sc.loop_unroll_factor = 8 : i64, sc.parallel_access}
      %mul3A_83 = arith.constant 256 : i32
      %mul3A_84 = arith.muli %add3A_57, %mul3A_83 : i32
      %add3A_85 = arith.addi %mul3A_2, %mul3A_84 : i32
      %dma_start3A_86 = arith.constant 0 : i32
      %dma_start3A_87 = tpu.memref_slice %arg6[%add3A_85, %dma_start3A_86] : memref<819200x64xf32, #tpu.memory_space<hbm>> -> memref<256x64xf32, #tpu.memory_space<hbm>>
      %dma_start3A_88 = arith.constant 0 : i32
      %dma_start3A_89 = tpu.memref_slice %arg6[%add3A_85, %dma_start3A_88] : memref<819200x64xf32, #tpu.memory_space<hbm>> -> memref<256x64xf32, #tpu.memory_space<hbm>>
      tpu.enqueue_dma source(%arg10 : memref<256x64xf32, #tpu.memory_space<vmem>>) target(%dma_start3A_89 : memref<256x64xf32, #tpu.memory_space<hbm>>) target_semaphore(%arg18 : memref<!tpu.dma_semaphore, #tpu.memory_space<semaphore_mem>>)
    }
    %scan3A_16 = arith.constant 50 : i32
    %add3A_17 = arith.constant 25344 : i32
    %add3A_18 = arith.addi %mul3A_2, %add3A_17 : i32
    %dma_wait3A = arith.constant 0 : i32
    %dma_wait3A_19 = tpu.memref_slice %arg6[%add3A_18, %dma_wait3A] : memref<819200x64xf32, #tpu.memory_space<hbm>> -> memref<256x64xf32, #tpu.memory_space<hbm>>
    %dma_wait3A_20 = arith.constant 0 : i32
    %dma_wait3A_21 = tpu.memref_slice %arg6[%add3A_18, %dma_wait3A_20] : memref<819200x64xf32, #tpu.memory_space<hbm>> -> memref<256x64xf32, #tpu.memory_space<hbm>>
    tpu.wait_dma2 semaphore(%arg18 : memref<!tpu.dma_semaphore, #tpu.memory_space<semaphore_mem>>) src(%arg10 : memref<256x64xf32, #tpu.memory_space<vmem>>) dst(%dma_wait3A_21 : memref<256x64xf32, #tpu.memory_space<hbm>>)
    return
  }
}

</mosaic_0001>

<sc_bundles>
// kernel: _lookup_sum.3.cloned.1.call-start
scs
__scs_entry_jumppad:
0x0: {  	(pc) =	sbr.rel $0x88, $3  }
0x1: {  	(tag) =	ssettag $0x0;
	lr =	simm.s32 $0x1  }
0x2: {  	[smem:$0x3F9D] =	sst lr;
	_ =	strace $0xD0000000  }
0x3: {  	_ = 	snop  }
0x4: {  	_ = 	snop  }
0x5: {  	_ = 	snop  }
0x6: {  	_ = 	snop  }
0x7: {  	_ = 	snop  }
__scs_overlays_trampoline_lowered:
0x8: {  	[smem:$0x3FAC] =	sst s0  }
0x9: {  	[smem:$0x3FAD] =	sst s1  }
0xa: {  	[smem:$0x3FAE] =	sst s2  }
0xb: {  	[smem:$0x3FAF] =	sst s3  }
0xc: {  	[smem:$0x3FB0] =	sst s4  }
0xd: {  	[smem:$0x3FB1] =	sst s5  }
0xe: {  	[smem:$0x3FB2] =	sst s6  }
0xf: {  	[smem:$0x3FB3] =	sst s7  }
0x10: {  	[smem:$0x3FB4] =	sst s8  }
0x11: {  	[smem:$0x3FB5] =	sst s9;
	s0 =	simm.s32 @!p0 $0x0  }
0x12: {  	s1 =	sld [smem:$0x3F9B];
	s0 =	simm.s32 @p0 $0x1  }
0x13: {  	[smem:$0x3FB6] =	sst s0;
	s0 =	simm.s32 @!p1 $0x0  }
0x14: {  	s2 =	sld [smem:$0x3F9A];
	s0 =	simm.s32 @p1 $0x1  }
0x15: {  	[smem:$0x3FB7] =	sst s0;
	s0 =	simm.s32 @!p2 $0x0  }
0x16: {  	s3 =	sld [smem:$0x3FDB];
	s0 =	simm.s32 @p2 $0x1  }
0x17: {  	s4 =	simm.s32 $0x1BF5;
	[smem:$0x3FB9] =	sst s0  }
0x18: {  	s0 =	sld [smem:$0x3F9C];
	_ =	swait.ge [sflag:s4], $0x0  }
0x19: {  	s7 =	sld [smem:$0x3F9D]  }
0x1a: {  	s8 =	sadd.s32 $0xFFFFE003, lr  }
0x1b: {  	s9 =	sadd.s32 $0xFFFFFEF7, lr;
	s5 =	simm.s32 $0xFFFFFFFF;
	p2 =	slt.u32 s8, $0xFFFFF086  }
0x1c: {  	p1 =	slt.u32 s9, $0xF7A;
	s5 =	simm.s32 @!p2 $0x0  }
0x1d: {  	s5 =	simm.s32 @p1 $0x1;
	p0 =	seq.s32 s7, s2  }
0x1e: {  	s7 =	smul.u32 @!p0 $0xF7A, s2;
	p2 =	seq.s32 @!p0 s5, $0x0  }
0x1f: {  	s9 =	smul.u32 $0xF7A, s1;
	s8 =	simm.s32 @!p0 $0x1BF5;
	p2 =	por !p2, p0  }
0x20: {  	[sflag:s8] =	ssyncset.s32 @!p0 $0xFFFFF086;
	s6 =	sadd.s32 @!p0 s3, s7;
	s7 =	simm.s32 @!p0 $0x108  }
0x21: {  	s3 =	sadd.s32 s3, s9;
	s6 =	sadd.s32 @!p0 $0x88, s6;
	s7 =	simm.s32 @p2 $0x1082  }
0x22: {  	[simem:s7], [sflag:s8] =	dma.local @!p0 [hbm:s6], $0xF7A  }
0x23: {  	s9 =	sor.u32 $0xD0000000, s2;
	s6 =	simm.s32 $0x108;
	_ =	swait.ge @!p0 [sflag:s8], $0x0  }
0x24: {  	s3 =	sadd.s32 $0x88, s3;
	s6 =	simm.s32 @!p1 $0x1082;
	[sflag:s4] =	ssyncset.s32 $0xFFFFF086  }
0x25: {  	[simem:s6], [sflag:s4] =	dma.local [hbm:s3], $0xF7A  }
0x26: {  	[smem:$0x3F9D] =	sst s1;
	(tag) =	ssettag s2;
	_ =	strace s9  }
0x27: {  	s1 =	sld [smem:$0x3FAD]  }
0x28: {  	s2 =	sld [smem:$0x3FAE]  }
0x29: {  	s4 =	sld [smem:$0x3FB0]  }
0x2a: {  	p0 =	seq.s32 s5, $0x0;
	s5 =	sld [smem:$0x3FB1]  }
0x2b: {  	s6 =	sld [smem:$0x3FB2]  }
0x2c: {  	s7 =	sld [smem:$0x3FB3]  }
0x2d: {  	s3 =	simm.s32 $0x108;
	s8 =	sld [smem:$0x3FB4]  }
0x2e: {  	s3 =	simm.s32 @!p0 $0x1082;
	s9 =	sld [smem:$0x3FB5]  }
0x2f: {  	lr =	sadd.s32 s0, s3;
	s0 =	sld [smem:$0x3FAC]  }
0x30: {  	s3 =	sld [smem:$0x3FAF]  }
0x31: {  	[smem:$0x3FB8] =	sst s10  }
0x32: {  	s10 =	sld [smem:$0x3FB6];
	_ =	sdelay $0x3  }
0x33: {  	p0 =	seq.s32 s10, $0x1;
	s10 =	sld [smem:$0x3FB8];
	_ =	sdelay $0x3  }
0x34: {  	[smem:$0x3FB8] =	sst s10  }
0x35: {  	s10 =	sld [smem:$0x3FB7];
	_ =	sdelay $0x3  }
0x36: {  	p1 =	seq.s32 s10, $0x1;
	s10 =	sld [smem:$0x3FB8];
	_ =	sdelay $0x3  }
0x37: {  	[smem:$0x3FB8] =	sst s10  }
0x38: {  	s10 =	sld [smem:$0x3FB9]  }
0x39: {  	_ = 	snop;
	(pc) =	sbr.ind lr, $3  }
0x3a: {  	_ = 	snop  }
0x3b: {  	_ = 	snop  }
0x3c: {  	p2 =	seq.s32 s10, $0x1;
	s10 =	sld [smem:$0x3FB8]  }
0x3d: {  	_ =	shalt  }
0x3e: {  	_ =	shalt  }
0x3f: {  	_ =	shalt  }
0x40: {  	_ =	shalt  }
0x41: {  	_ =	shalt  }
0x42: {  	_ =	shalt  }
0x43: {  	_ =	shalt  }
0x44: {  	_ =	shalt  }
0x45: {  	_ =	shalt  }
0x46: {  	_ =	shalt  }
0x47: {  	_ =	shalt  }
0x48: {  	_ =	shalt  }
0x49: {  	_ =	shalt  }
0x4a: {  	_ =	shalt  }
0x4b: {  	_ =	shalt  }
0x4c: {  	_ =	shalt  }
0x4d: {  	_ =	shalt  }
0x4e: {  	_ =	shalt  }
0x4f: {  	_ =	shalt  }
0x50: {  	_ =	shalt  }
0x51: {  	_ =	shalt  }
0x52: {  	_ =	shalt  }
0x53: {  	_ =	shalt  }
0x54: {  	_ =	shalt  }
0x55: {  	_ =	shalt  }
0x56: {  	_ =	shalt  }
0x57: {  	_ =	shalt  }
0x58: {  	_ =	shalt  }
0x59: {  	_ =	shalt  }
0x5a: {  	_ =	shalt  }
0x5b: {  	_ =	shalt  }
0x5c: {  	_ =	shalt  }
0x5d: {  	_ =	shalt  }
0x5e: {  	_ =	shalt  }
0x5f: {  	_ =	shalt  }
0x60: {  	_ =	shalt  }
0x61: {  	_ =	shalt  }
0x62: {  	_ =	shalt  }
0x63: {  	_ =	shalt  }
0x64: {  	_ =	shalt  }
0x65: {  	_ =	shalt  }
0x66: {  	_ =	shalt  }
0x67: {  	_ =	shalt  }
0x68: {  	_ =	shalt  }
0x69: {  	_ =	shalt  }
0x6a: {  	_ =	shalt  }
0x6b: {  	_ =	shalt  }
0x6c: {  	_ =	shalt  }
0x6d: {  	_ =	shalt  }
0x6e: {  	_ =	shalt  }
0x6f: {  	_ =	shalt  }
0x70: {  	_ =	shalt  }
0x71: {  	_ =	shalt  }
0x72: {  	_ =	shalt  }
0x73: {  	_ =	shalt  }
0x74: {  	_ =	shalt  }
0x75: {  	_ =	shalt  }
0x76: {  	_ =	shalt  }
0x77: {  	_ =	shalt  }
0x78: {  	_ =	shalt  }
0x79: {  	_ =	shalt  }
0x7a: {  	_ =	shalt  }
0x7b: {  	_ =	shalt  }
0x7c: {  	_ =	shalt  }
0x7d: {  	_ =	shalt  }
0x7e: {  	_ =	shalt  }
0x7f: {  	_ =	shalt  }
0x80: {  	_ =	shalt  }
0x81: {  	_ =	shalt  }
0x82: {  	_ =	shalt  }
0x83: {  	_ =	shalt  }
0x84: {  	_ =	shalt  }
0x85: {  	_ =	shalt  }
0x86: {  	_ =	shalt  }
0x87: {  	_ =	shalt  }
.Lfunc_end0:
.L_simem_size_0:
called_computation.1_lowered:
.L_overlay_start_0:
0x88: {  	s2 =	sld [smem:$0x3FD9]  }
0x89: {  	s3 =	sld [smem:$0x3FFE];
	_ =	sdelay $0x1  }
0x8a: {  	s1 =	srdreg.scid  }
0x8b: {  	s0 =	sand.u32 $0x1, s1  }
0x8c: {  	s17 =	sshll.u32 s0, $0xA;
	s2 =	sadd.s32 s3, s2  }
0x8d: {  	s2 =	sadd.s32 s2, s17  }
0x8e: {  	[smem:$0x3FC4] =	sst s2  }
0x8f: {  	_ = 	snop  }
0x90: {  	s2 =	sld [smem:$0x3FC9]  }
0x91: {  	s18 =	sld [smem:$0x3FC8]  }
0x92: {  	s4 =	sld [smem:$0x3FD0];
	(tm) =	ssettm $0x1  }
0x93: {  	s5 =	sld [smem:$0x3FFB];
	_ =	sdelay $0x3  }
0x94: {  	_ =	strace s5  }
0x95: {  	s5 =	sld [smem:$0x3FFC];
	_ =	sdelay $0x3  }
0x96: {  	_ =	strace s5  }
0x97: {  	s5 =	sld [smem:$0x3FFD];
	_ =	sdelay $0x3  }
0x98: {  	_ =	strace s5  }
0x99: {  	_ =	strace $0x8FFFFFFF  }
0x9a: {  	s19 =	sld [smem:$0x3FDB];
	_ =	sdelay $0x1  }
0x9b: {  	s6 =	simm.s32 $_scs_section_size  }
0x9c: {  	s7 =	simm.s32 $_size__tile_overlayer_lowered;
	s8 =	simm.s32 $_tile_overlayer_lowered  }
0x9d: {  	s22 =	simm.s32 $0x1BFF;
	s21 =	sshll.u32 s8, $0x1;
	s5 =	sadd.s32 s6, s19  }
0x9e: {  	s9 =	simm.s32 $0x0;
	s20 =	sshll.u32 s7, $0x1;
	s7 =	sadd.s32 s21, s5  }
0x9f: {  	[timem:s9], [sflag:s22] =	dma.local [hbm:s7], s20  }
0xa0: {  	_ =	swait.ge [sflag:s22], s20  }
0xa1: {  	s6 =	ssub.s32 $0x0, s20;
	[sflag:s22] =	ssyncset.done $0x0  }
0xa2: {  	[sflag:s22] =	ssyncadd.s32 s6;
	_ =	sdelay $0x1  }
0xa3: {  	s23 =	simm.s32 $0x1B8B  }
0xa4: {  	_ =	swait.ge [sflag:s23], $0x1  }
0xa5: {  	[sflag:s23] =	ssyncset.done $0x0  }
0xa6: {  	s25 =	simm.s32 $0x1B8E;
	s24 =	sld [smem:$0x3FFE];
	[sflag:s23] =	ssyncadd.s32 $0xFFFFFFFF  }
0xa7: {  	s26 =	simm.s32 $execute0_lowered;
	[smem:$0x3FD2] =	sst s25  }
0xa8: {  	s7 =	sshll.u32 s26, $0x1;
	_ =	strace $0x80000046;
	[dreg:$0x1] =	wrdreg $0xFFFFFFFF  }
0xa9: {  	s28 =	simm.s32 $_size_execute0_lowered;
	s5 =	sadd.s32 s5, s7;
	[dreg:$0x0] =	wrdreg $0x0  }
0xaa: {  	s7 =	sshll.u32 s28, $0x1;
	[dreg:$0x2] =	wrdreg s5  }
0xab: {  	[dreg:$0x3] =	wrdreg s7  }
0xac: {  	[dreg:$0x4] =	wrdreg $0xC0  }
0xad: {  	_ =	task [dreg:s9], $0x5FFFF  }
0xae: {  	[dreg:$0x1] =	wrdreg $0xFFFFFFFF  }
0xaf: {  	[dreg:$0x0] =	wrdreg $0x60  }
0xb0: {  	[dreg:$0x2] =	wrdreg s2  }
0xb1: {  	[dreg:$0x3] =	wrdreg s18  }
0xb2: {  	[dreg:$0x4] =	wrdreg s24  }
0xb3: {  	[dreg:$0x5] =	wrdreg s4  }
0xb4: {  	[dreg:$0x6] =	wrdreg $0x9  }
0xb5: {  	_ =	task.clear_ibuf [dreg:s9], $0x7FFFF;
	_ =	strace $0x90000046  }
0xb6: {  	s29 =	simm.s32 $0x9;
	_ =	strace $0x80000048  }
0xb7: {  	_ =	swait.ge [sflag:s29], $0x1  }
0xb8: {  	[sflag:s29] =	ssyncadd.s32 $0xFFFFFFFF  }
0xb9: {  	_ =	strace $0x90000048  }
0xba: {  	_ =	sfence  }
0xbb: {  	s30 =	sld [smem:$0x0];
	_ =	sdelay $0x2  }
0xbc: {  	s31 =	sshll.u32 s1, $0xD;
	s1 =	sshrl.u32 s1, $0x2  }
0xbd: {  	s3 =	sand.u32 $0x4000, s31;
	s1 =	sadd.s32 s1, s30  }
0xbe: {  	s0 =	sor.u32 s3, s0;
	s1 =	sshll.u32 s1, $0x11  }
0xbf: {  	s0 =	sor.u32 s1, s0  }
0xc0: {  	s0 =	sadd.s32 $0x8F2B, s0  }
0xc1: {  	[sflag:s0] =	ssyncadd.remote.s32 $0x1  }
0xc2: {  	_ =	sfence.sel $0xFFFF  }
0xc3: {  	[dreg:$0x0] =	wrdreg $0xFFFFFFFF;
	(pc) =	sbr.abs _section_cstart, $3  }
0xc4: {  	[dreg:$0x1] =	wrdreg $0xFFFFFFFF  }
0xc5: {  	_ =	task.clear_ibuf [dreg:s9], $0x2FFFF;
	_ =	strace $0x9FFFFFFF  }
0xc6: {  	(tm) =	ssettm $0x7FFFFFFF  }
0xc7: {  	_ =	shalt  }
tec
execute0_lowered:
.L_overlay_start_1:
0x0: {  	(tag) =	ssettag $0x1  }
0x1: {  	s6 =	rddreg [dreg:$0x0]  }
0x2: {  	s7 =	rddreg [dreg:$0x1]  }
0x3: {  	s5 =	rddreg [dreg:$0x2]  }
0x4: {  	s2 =	rddreg [dreg:$0x3]  }
0x5: {  	s0 =	rddreg [dreg:$0x4]  }
0x6: {  	s4 =	srdreg.scid;
	s1 =	stileid.u32  }
0x7: {  	s3 =	simm.s32 $0x0;
	s12 =	simm.s32 $0x100;
	s13 =	simm.s32 $0xC800  }
0x8: {  	s14 =	simm.s32 $0x14800;
	s15 =	simm.s32 $0x10800;
	s16 =	simm.s32 $0x18800  }
0x9: {  	s17 =	simm.s32 $0x1;
	s18 =	simm.s32 $0x3;
	s19 =	simm.s32 $0x5  }
0xa: {  	s20 =	simm.s32 $0x2;
	s21 =	simm.s32 $0x4;
	s22 =	simm.s32 $0x6  }
0xb: {  	s23 =	simm.s32 $0x0;
	s4 =	sand.u32 $0x1, s4;
	s8 =	sshll.u32 s1, $0x1  }
0xc: {  	[smem:$0x7FF] =	sst s3;
	s9 =	ssub.s32 $0x2, s4;
	s8 =	sor.u32 s4, s8  }
0xd: {  	_ =	strace $0x80000047;
	s4 =	sadd.s32 $0x2400, s5;
	s11 =	smul.u32 $0xC80, s8  }
0xe: {  	s5 =	sadd.s32 $0xC5A00, s5;
	s10 =	sshrl.u32 s9, $0x1;
	s8 =	smul.u32 $0x190000, s8  }
0xf: {  	s9 =	ssub.s32 s9, s10;
	s10 =	simm.s32 $0x7;
	s6 =	sadd.s32 s6, s11  }
0x10: {  	s7 =	sadd.s32 s7, s11;
	s9 =	smax.u32 s9, $0x1;
	s11 =	simm.s32 $0x6400  }
.LBB2_1:
0x11: {  	[tilespmem:s3], [sflag:$0x7] =	stream.linear.gather [hbm4b:s6+s3], $0x6400, $0x38;
	[tilespmem:$0x1C800] =	vst v63  }
0x12: {  	_ =	swait.ge [sflag:s10], $0x6400  }
0x13: {  	[sflag:s10] =	ssyncset.done $0x0  }
0x14: {  	[sflag:s10] =	ssyncadd.s32 $0xFFFF9C00  }
0x15: {  	[tilespmem:s11], [sflag:$0x7] =	stream.linear.gather [hbm4b:s7+s3], $0x6400, $0x38;
	[tilespmem:$0x1C800] =	vst v63  }
0x16: {  	_ =	swait.ge [sflag:s10], $0x6400  }
0x17: {  	[sflag:s10] =	ssyncset.done $0x0  }
0x18: {  	[sflag:s10] =	ssyncadd.s32 $0xFFFF9C00  }
0x19: {  	[tilespmem:s13], [sflag:$0x1] =	stream.indirect.gather [hbm4b:s4+s12], $0x40, s3, s12, $0xb8;
	[tilespmem:$0x1C800] =	vst v63  }
0x1a: {  	s24 =	simm.s32 $0x0  }
0x1b: {  	[tilespmem:s14], [sflag:$0x3] =	stream.indirect.gather [hbm4b:s5+s12], $0x40, s11, s12, $0xb8;
	[tilespmem:$0x1C800] =	vst v63  }
.LBB2_2:
0x1c: {  	p0 =	seq.s32 s24, $0x0  }
0x1d: {  	s26 =	simm.s32 @!p0 $0x6  }
0x1e: {  	s25 =	sshll.u32 s24, $0x1;
	_ =	swait.ge @!p0 [sflag:s26], $0x4000  }
0x1f: {  	s25 =	sor.u32 $0x1, s25;
	[sflag:s26] =	ssyncset.done @!p0 $0x0  }
0x20: {  	s31 =	sshll.u32 s25, $0x8;
	[sflag:s26] =	ssyncadd.s32 @!p0 $0xFFFFC000  }
0x21: {  	[tilespmem:s15], [sflag:$0x2] =	stream.indirect.gather [hbm4b:s4+s12], $0x40, s31, s12, $0xb8;
	[tilespmem:$0x1C800] =	vst v63  }
0x22: {  	s26 =	sadd.s32 $0x6400, s31  }
0x23: {  	[tilespmem:s16], [sflag:$0x4] =	stream.indirect.gather [hbm4b:s5+s12], $0x40, s26, s12, $0xb8;
	[tilespmem:$0x1C800] =	vst v63  }
0x24: {  	_ =	swait.ge [sflag:s17], $0x4000  }
0x25: {  	[sflag:s17] =	ssyncset.done $0x0  }
0x26: {  	[sflag:s17] =	ssyncadd.s32 $0xFFFFC000  }
0x27: {  	_ =	swait.ge [sflag:s18], $0x4000  }
0x28: {  	[sflag:s18] =	ssyncset.done $0x0  }
0x29: {  	s26 =	simm.s32 $0xC900;
	[sflag:s18] =	ssyncadd.s32 $0xFFFFC000  }
0x2a: {  	s28 =	simm.s32 $0x14900;
	v0 =	vld [tilespmem:s26+$0xC0]  }
0x2b: {  	v1 =	vld [tilespmem:s28+$0xC0]  }
0x2c: {  	v2 =	vld [tilespmem:s28+$0xFFFFFF00]  }
0x2d: {  	v3 =	vld [tilespmem:s26+$0xFFFFFF40]  }
0x2e: {  	v4 =	vld [tilespmem:s26+$0xFFFFFF80]  }
0x2f: {  	v6 =	vld [tilespmem:s28+$0xFFFFFF80]  }
0x30: {  	v7 =	vld [tilespmem:s26+$0xFFFFFFC0]  }
0x31: {  	v8 =	vld [tilespmem:s28+$0xFFFFFFC0]  }
0x32: {  	v9 =	vld [tilespmem:s26+$0x0]  }
0x33: {  	v10 =	vld [tilespmem:s28+$0x0]  }
0x34: {  	v11 =	vld [tilespmem:s28+$0x40]  }
0x35: {  	v60 =	vld [tilespmem:s26+$0xFFFFFFD0]  }
0x36: {  	v13 =	vld [tilespmem:s26+$0x10]  }
0x37: {  	v61 =	vld [tilespmem:s26+$0xFFFFFFE0]  }
0x38: {  	v62 =	vld [tilespmem:s26+$0x60];
	v0 =	vadd.f32 v1, v0  }
0x39: {  	v1 =	vld [tilespmem:s28+$0xFFFFFF40]  }
0x3a: {  	[tilespmem:s26+$0xC0] =	vst v0;
	v0 =	vld [tilespmem:s26+$0xD0]  }
0x3b: {  	v5 =	vld [tilespmem:s28+$0xD0]  }
0x3c: {  	v63 =	vld [tilespmem:s26+$0xFFFFFF30];
	v4 =	vadd.f32 v6, v4  }
0x3d: {  	v6 =	vld [tilespmem:s28+$0x80]  }
0x3e: {  	[tilespmem:s26+$0xFFFFFF80] =	vst v4;
	v4 =	vadd.f32 v10, v9;
	v10 =	vld [tilespmem:s26+$0xFFFFFF50];
	v1 =	vadd.f32 v1, v3  }
0x3f: {  	v3 =	vld [tilespmem:s26+$0x80]  }
0x40: {  	[tilespmem:s26+$0xFFFFFF40] =	vst v1;
	v0 =	vadd.f32 v5, v0;
	v5 =	vld [tilespmem:s26+$0x40]  }
0x41: {  	v1 =	vadd.f32 v8, v7;
	v8 =	vld [tilespmem:s28+$0xFFFFFF50]  }
0x42: {  	[tilespmem:s26+$0xD0] =	vst v0;
	v0 =	vld [tilespmem:s26+$0xE0]  }
0x43: {  	[tilespmem:s26+$0x0] =	vst v4;
	v12 =	vld [tilespmem:s28+$0xE0]  }
0x44: {  	v9 =	vld [tilespmem:s28+$0x10]  }
0x45: {  	v7 =	vld [tilespmem:s26+$0xFFFFFF00]  }
0x46: {  	[tilespmem:s26+$0xFFFFFFC0] =	vst v1;
	v1 =	vld [tilespmem:s28+$0xFFFFFF90]  }
0x47: {  	v4 =	vld [tilespmem:s28+$0xFFFFFFD0];
	v8 =	vadd.f32 v8, v10  }
0x48: {  	v5 =	vadd.f32 v11, v5;
	v11 =	vld [tilespmem:s26+$0xFFFFFF90];
	v0 =	vadd.f32 v12, v0  }
0x49: {  	v10 =	vld [tilespmem:s26+$0x90];
	[tilespmem:s26+$0xFFFFFF50] =	vst v8  }
0x4a: {  	v8 =	vld [tilespmem:s28+$0xFFFFFF60];
	[tilespmem:s26+$0xE0] =	vst v0;
	v0 =	vadd.f32 v2, v7  }
0x4b: {  	[tilespmem:s26+$0x40] =	vst v5;
	v7 =	vld [tilespmem:s26+$0xF0];
	v2 =	vadd.f32 v6, v3  }
0x4c: {  	v5 =	vld [tilespmem:s28+$0xF0];
	[tilespmem:s26+$0xFFFFFF00] =	vst v0  }
0x4d: {  	v1 =	vadd.f32 v1, v11;
	[tilespmem:s26+$0x80] =	vst v2;
	v2 =	vld [tilespmem:s26+$0xFFFFFF10]  }
0x4e: {  	v3 =	vld [tilespmem:s28+$0xFFFFFF10]  }
0x4f: {  	[tilespmem:s26+$0xFFFFFF90] =	vst v1;
	v1 =	vadd.f32 v9, v13;
	v6 =	vld [tilespmem:s28+$0x90]  }
0x50: {  	v4 =	vadd.f32 v4, v60;
	v0 =	vld [tilespmem:s28+$0x50]  }
0x51: {  	v9 =	vld [tilespmem:s28+$0xFFFFFFA0];
	[tilespmem:s26+$0x10] =	vst v1  }
0x52: {  	[tilespmem:s26+$0xFFFFFFD0] =	vst v4;
	v4 =	vld [tilespmem:s28+$0x20]  }
0x53: {  	v2 =	vadd.f32 v3, v2;
	v3 =	vld [tilespmem:s26+$0x50]  }
0x54: {  	v1 =	vadd.f32 v6, v10;
	v10 =	vld [tilespmem:s26+$0xFFFFFFA0]  }
0x55: {  	[tilespmem:s26+$0xFFFFFF10] =	vst v2;
	v2 =	vld [tilespmem:s26+$0xFFFFFF20]  }
0x56: {  	v11 =	vld [tilespmem:s28+$0xFFFFFF20]  }
0x57: {  	v5 =	vadd.f32 v5, v7;
	[tilespmem:s26+$0x90] =	vst v1;
	v1 =	vld [tilespmem:s26+$0xFFFFFF60]  }
0x58: {  	v7 =	vld [tilespmem:s26+$0x30]  }
0x59: {  	[tilespmem:s26+$0xF0] =	vst v5;
	v5 =	vld [tilespmem:s26+$0x70]  }
0x5a: {  	v6 =	vld [tilespmem:s28+$0xA0]  }
0x5b: {  	v0 =	vadd.f32 v0, v3;
	v3 =	vld [tilespmem:s28+$0xFFFFFFE0];
	v2 =	vadd.f32 v11, v2  }
0x5c: {  	v1 =	vadd.f32 v8, v1;
	v8 =	vadd.f32 v9, v10;
	v9 =	vld [tilespmem:s26+$0xFFFFFFB0]  }
0x5d: {  	[tilespmem:s26+$0xFFFFFF20] =	vst v2;
	v2 =	vld [tilespmem:s26+$0xA0]  }
0x5e: {  	[tilespmem:s26+$0x50] =	vst v0;
	v11 =	vld [tilespmem:s26+$0x20]  }
0x5f: {  	v0 =	vld [tilespmem:s28+$0x60];
	[tilespmem:s26+$0xFFFFFF60] =	vst v1  }
0x60: {  	[tilespmem:s26+$0xFFFFFFA0] =	vst v8;
	v8 =	vld [tilespmem:s26+$0xFFFFFFF0]  }
0x61: {  	v1 =	vadd.f32 v3, v61;
	v14 =	vld [tilespmem:s28+$0xFFFFFF70]  }
0x62: {  	v10 =	vld [tilespmem:s28+$0xFFFFFF30];
	v6 =	vadd.f32 v6, v2  }
0x63: {  	[tilespmem:s26+$0xFFFFFFE0] =	vst v1;
	v3 =	vadd.f32 v4, v11;
	v4 =	vld [tilespmem:s28+$0xFFFFFFB0]  }
0x64: {  	v0 =	vadd.f32 v0, v62;
	[tilespmem:s26+$0xA0] =	vst v6;
	v6 =	vld [tilespmem:s26+$0xFFFFFF70]  }
0x65: {  	v1 =	vld [tilespmem:s28+$0xFFFFFFF0];
	[tilespmem:s26+$0x20] =	vst v3  }
0x66: {  	[tilespmem:s26+$0x60] =	vst v0;
	v2 =	vld [tilespmem:s28+$0x30]  }
0x67: {  	v3 =	vld [tilespmem:s28+$0x70];
	v10 =	vadd.f32 v10, v63  }
0x68: {  	v0 =	vld [tilespmem:s28+$0xB0]  }
0x69: {  	s29 =	simm.s32 $0x0;
	s30 =	simm.s32 $0xCB00;
	[tilespmem:s26+$0xFFFFFF30] =	vst v10;
	v10 =	vadd.f32 v14, v6;
	v6 =	vld [tilespmem:s26+$0xB0]  }
.LBB2_3:
0x6a: {  	v11 =	vld [tilespmem:s30+$0xC0];
	v4 =	vadd.f32 v4, v9;
	s28 =	sadd.s32 $0x200, s28  }
0x6b: {  	s29 =	sadd.s32 $0x8, s29;
	v9 =	vld [tilespmem:s28+$0xC0];
	[tilespmem:s26+$0xFFFFFF70] =	vst v10;
	v1 =	vadd.f32 v1, v8  }
0x6c: {  	p0 =	slt.u32 s29, $0xF8;
	v8 =	vld [tilespmem:s28+$0xFFFFFF00];
	[tilespmem:s26+$0xFFFFFFB0] =	vst v4;
	v2 =	vadd.f32 v2, v7  }
0x6d: {  	v4 =	vld [tilespmem:s30+$0xFFFFFF40];
	[tilespmem:s26+$0xFFFFFFF0] =	vst v1;
	v1 =	vadd.f32 v3, v5  }
0x6e: {  	v3 =	vld [tilespmem:s28+$0xFFFFFF40];
	[tilespmem:s26+$0x30] =	vst v2;
	v0 =	vadd.f32 v0, v6  }
0x6f: {  	v2 =	vld [tilespmem:s30+$0xFFFFFF80];
	[tilespmem:s26+$0x70] =	vst v1  }
0x70: {  	v1 =	vld [tilespmem:s28+$0xFFFFFF80];
	v5 =	vadd.f32 v9, v11;
	[tilespmem:s26+$0xB0] =	vst v0;
	s26 =	smov.u32 s30  }
0x71: {  	v0 =	vld [tilespmem:s30+$0xFFFFFFC0]  }
0x72: {  	[tilespmem:s30+$0xC0] =	vst v5;
	v5 =	vld [tilespmem:s30+$0xD0]  }
0x73: {  	v3 =	vadd.f32 v3, v4;
	v4 =	vld [tilespmem:s28+$0xD0]  }
0x74: {  	v6 =	vld [tilespmem:s28+$0xFFFFFFC0]  }
0x75: {  	[tilespmem:s30+$0xFFFFFF40] =	vst v3;
	v1 =	vadd.f32 v1, v2;
	v2 =	vld [tilespmem:s30+$0x0]  }
0x76: {  	v3 =	vld [tilespmem:s28+$0x0]  }
0x77: {  	[tilespmem:s30+$0xFFFFFF80] =	vst v1;
	v1 =	vld [tilespmem:s30+$0x40]  }
0x78: {  	v7 =	vld [tilespmem:s28+$0x40];
	v4 =	vadd.f32 v4, v5  }
0x79: {  	v0 =	vadd.f32 v6, v0;
	v5 =	vld [tilespmem:s30+$0x80]  }
0x7a: {  	[tilespmem:s30+$0xD0] =	vst v4;
	v4 =	vld [tilespmem:s30+$0xE0]  }
0x7b: {  	[tilespmem:s30+$0xFFFFFFC0] =	vst v0;
	v0 =	vadd.f32 v3, v2;
	v2 =	vld [tilespmem:s28+$0xE0]  }
0x7c: {  	v3 =	vld [tilespmem:s28+$0x80]  }
0x7d: {  	v6 =	vld [tilespmem:s30+$0xFFFFFF00];
	[tilespmem:s30+$0x0] =	vst v0;
	v0 =	vadd.f32 v7, v1  }
0x7e: {  	v1 =	vld [tilespmem:s28+$0xFFFFFF50]  }
0x7f: {  	v7 =	vld [tilespmem:s28+$0xFFFFFF90];
	[tilespmem:s30+$0x40] =	vst v0  }
0x80: {  	v0 =	vld [tilespmem:s28+$0xFFFFFFD0];
	v2 =	vadd.f32 v2, v4  }
0x81: {  	v4 =	vld [tilespmem:s28+$0x10];
	v3 =	vadd.f32 v3, v5  }
0x82: {  	v5 =	vadd.f32 v8, v6;
	[tilespmem:s30+$0xE0] =	vst v2;
	v2 =	vld [tilespmem:s30+$0xF0]  }
0x83: {  	[tilespmem:s30+$0x80] =	vst v3;
	v3 =	vld [tilespmem:s28+$0xF0]  }
0x84: {  	[tilespmem:s30+$0xFFFFFF00] =	vst v5;
	v5 =	vld [tilespmem:s28+$0x50]  }
0x85: {  	v6 =	vld [tilespmem:s28+$0xFFFFFF10]  }
0x86: {  	v8 =	vld [tilespmem:s28+$0x90]  }
0x87: {  	v9 =	vld [tilespmem:s30+$0xFFFFFF10]  }
0x88: {  	v10 =	vld [tilespmem:s30+$0xFFFFFF50];
	v2 =	vadd.f32 v3, v2  }
0x89: {  	v3 =	vld [tilespmem:s30+$0xFFFFFF90]  }
0x8a: {  	v11 =	vld [tilespmem:s30+$0xFFFFFFD0];
	[tilespmem:s30+$0xF0] =	vst v2  }
0x8b: {  	v2 =	vld [tilespmem:s30+$0x10]  }
0x8c: {  	v6 =	vadd.f32 v6, v9;
	v9 =	vld [tilespmem:s30+$0x50]  }
0x8d: {  	v1 =	vadd.f32 v1, v10;
	v10 =	vld [tilespmem:s30+$0x90]  }
0x8e: {  	[tilespmem:s30+$0xFFFFFF10] =	vst v6;
	v6 =	vld [tilespmem:s30+$0xFFFFFF20];
	v3 =	vadd.f32 v7, v3  }
0x8f: {  	v7 =	vld [tilespmem:s28+$0xFFFFFF20];
	[tilespmem:s30+$0xFFFFFF50] =	vst v1;
	v0 =	vadd.f32 v0, v11  }
0x90: {  	v1 =	vld [tilespmem:s28+$0xFFFFFF60];
	[tilespmem:s30+$0xFFFFFF90] =	vst v3;
	v2 =	vadd.f32 v4, v2  }
0x91: {  	v3 =	vld [tilespmem:s28+$0xFFFFFFA0];
	[tilespmem:s30+$0xFFFFFFD0] =	vst v0;
	v0 =	vadd.f32 v5, v9  }
0x92: {  	v4 =	vld [tilespmem:s28+$0xFFFFFFE0];
	[tilespmem:s30+$0x10] =	vst v2;
	v2 =	vadd.f32 v8, v10  }
0x93: {  	v5 =	vld [tilespmem:s28+$0x20];
	[tilespmem:s30+$0x50] =	vst v0  }
0x94: {  	v0 =	vadd.f32 v7, v6;
	v6 =	vld [tilespmem:s28+$0x60];
	[tilespmem:s30+$0x90] =	vst v2  }
0x95: {  	v2 =	vld [tilespmem:s28+$0xA0]  }
0x96: {  	[tilespmem:s30+$0xFFFFFF20] =	vst v0;
	v0 =	vld [tilespmem:s30+$0xFFFFFF60]  }
0x97: {  	v7 =	vld [tilespmem:s30+$0xFFFFFFA0]  }
0x98: {  	v8 =	vld [tilespmem:s30+$0xFFFFFFE0]  }
0x99: {  	v9 =	vld [tilespmem:s30+$0x20]  }
0x9a: {  	v10 =	vld [tilespmem:s30+$0x60]  }
0x9b: {  	v0 =	vadd.f32 v1, v0;
	v11 =	vld [tilespmem:s30+$0xA0]  }
0x9c: {  	v12 =	vld [tilespmem:s28+$0xFFFFFF30];
	v1 =	vadd.f32 v3, v7  }
0x9d: {  	v3 =	vld [tilespmem:s30+$0xFFFFFF30];
	[tilespmem:s30+$0xFFFFFF60] =	vst v0;
	v0 =	vadd.f32 v4, v8  }
0x9e: {  	v13 =	vld [tilespmem:s28+$0xFFFFFF70];
	[tilespmem:s30+$0xFFFFFFA0] =	vst v1;
	v5 =	vadd.f32 v5, v9  }
0x9f: {  	v4 =	vld [tilespmem:s28+$0xFFFFFFB0];
	[tilespmem:s30+$0xFFFFFFE0] =	vst v0;
	v0 =	vadd.f32 v6, v10  }
0xa0: {  	v1 =	vld [tilespmem:s28+$0xFFFFFFF0];
	[tilespmem:s30+$0x20] =	vst v5;
	v5 =	vadd.f32 v2, v11  }
0xa1: {  	v2 =	vld [tilespmem:s28+$0x30];
	[tilespmem:s30+$0x60] =	vst v0  }
0xa2: {  	v6 =	vadd.f32 v12, v3;
	v3 =	vld [tilespmem:s28+$0x70];
	[tilespmem:s30+$0xA0] =	vst v5  }
0xa3: {  	v0 =	vld [tilespmem:s28+$0xB0]  }
0xa4: {  	[tilespmem:s30+$0xFFFFFF30] =	vst v6;
	v6 =	vld [tilespmem:s30+$0xFFFFFF70]  }
.Ltmp0:
0xa5: {  	v9 =	vld [tilespmem:s30+$0xFFFFFFB0];
	(pc) =	sbr.rel @p0 .LBB2_3-.Ltmp0, $4  }
0xa6: {  	v8 =	vld [tilespmem:s30+$0xFFFFFFF0]  }
0xa7: {  	v7 =	vld [tilespmem:s30+$0x30]  }
0xa8: {  	v5 =	vld [tilespmem:s30+$0x70]  }
0xa9: {  	s30 =	sadd.s32 $0x200, s30;
	v10 =	vadd.f32 v13, v6;
	v6 =	vld [tilespmem:s26+$0xB0]  }
0xaa: {  	v4 =	vadd.f32 v4, v9  }
0xab: {  	[tilespmem:s26+$0xFFFFFF70] =	vst v10;
	v1 =	vadd.f32 v1, v8  }
0xac: {  	[tilespmem:s26+$0xFFFFFFB0] =	vst v4;
	v2 =	vadd.f32 v2, v7  }
0xad: {  	s28 =	sshll.u32 s24, $0xF;
	[tilespmem:s26+$0xFFFFFFF0] =	vst v1;
	v1 =	vadd.f32 v3, v5  }
0xae: {  	s28 =	sadd.s32 s8, s28;
	[tilespmem:s26+$0x30] =	vst v2;
	v0 =	vadd.f32 v0, v6  }
0xaf: {  	s28 =	sshrl.u32 s28, $0x3;
	[tilespmem:s26+$0x70] =	vst v1  }
0xb0: {  	s31 =	sadd.s32 s2, s28;
	[tilespmem:s26+$0xB0] =	vst v0  }
0xb1: {  	[hbm4b:s31+s3] =	stream.linear.scatter [tilespmem:s13], [sflag:$0x5], $0x4000, $0x38;
	[tilespmem:$0x1C800] =	vst v63  }
0xb2: {  	p0 =	seq.s32 s24, $0x31;
	_ =	swait.ge [sflag:s19], $0x4000  }
0xb3: {  	s29 =	simm.s32 @!p0 $0x100;
	s26 =	sshll.u32 @!p0 s24, $0x9;
	[sflag:s19] =	ssyncset.done $0x0  }
0xb4: {  	s30 =	simm.s32 @!p0 $0xC800;
	s28 =	sadd.s32 @!p0 $0x200, s26;
	[sflag:s19] =	ssyncadd.s32 $0xFFFFC000  }
0xb5: {  	[tilespmem:s30], [sflag:$0x1] =	stream.indirect.gather @!p0 [hbm4b:s4+s29], $0x40, s28, s29, $0xb8;
	[tilespmem:$0x1C800] =	vst v63  }
0xb6: {  	s26 =	sadd.s32 @!p0 $0x6600, s26;
	s28 =	simm.s32 @!p0 $0x14800  }
0xb7: {  	[tilespmem:s28], [sflag:$0x3] =	stream.indirect.gather @!p0 [hbm4b:s5+s29], $0x40, s26, s29, $0xb8;
	[tilespmem:$0x1C800] =	vst v63  }
0xb8: {  	_ =	swait.ge [sflag:s20], $0x4000  }
0xb9: {  	[sflag:s20] =	ssyncset.done $0x0  }
0xba: {  	[sflag:s20] =	ssyncadd.s32 $0xFFFFC000  }
0xbb: {  	_ =	swait.ge [sflag:s21], $0x4000  }
0xbc: {  	[sflag:s21] =	ssyncset.done $0x0  }
0xbd: {  	s26 =	simm.s32 $0x10900;
	[sflag:s21] =	ssyncadd.s32 $0xFFFFC000  }
0xbe: {  	s28 =	simm.s32 $0x18900;
	v0 =	vld [tilespmem:s26+$0xC0]  }
0xbf: {  	v1 =	vld [tilespmem:s28+$0xC0]  }
0xc0: {  	v2 =	vld [tilespmem:s28+$0xFFFFFF00]  }
0xc1: {  	v3 =	vld [tilespmem:s26+$0xFFFFFF40]  }
0xc2: {  	v4 =	vld [tilespmem:s26+$0xFFFFFF80]  }
0xc3: {  	v6 =	vld [tilespmem:s28+$0xFFFFFF80]  }
0xc4: {  	v7 =	vld [tilespmem:s26+$0xFFFFFFC0]  }
0xc5: {  	v8 =	vld [tilespmem:s28+$0xFFFFFFC0]  }
0xc6: {  	v9 =	vld [tilespmem:s26+$0x0]  }
0xc7: {  	v10 =	vld [tilespmem:s28+$0x0]  }
0xc8: {  	v11 =	vld [tilespmem:s28+$0x40]  }
0xc9: {  	v60 =	vld [tilespmem:s26+$0xFFFFFFD0]  }
0xca: {  	v13 =	vld [tilespmem:s26+$0x10]  }
0xcb: {  	v61 =	vld [tilespmem:s26+$0xFFFFFFE0]  }
0xcc: {  	v62 =	vld [tilespmem:s26+$0x60];
	v0 =	vadd.f32 v1, v0  }
0xcd: {  	v1 =	vld [tilespmem:s28+$0xFFFFFF40]  }
0xce: {  	[tilespmem:s26+$0xC0] =	vst v0;
	v0 =	vld [tilespmem:s26+$0xD0]  }
0xcf: {  	v5 =	vld [tilespmem:s28+$0xD0]  }
0xd0: {  	v63 =	vld [tilespmem:s26+$0xFFFFFF30];
	v4 =	vadd.f32 v6, v4  }
0xd1: {  	v6 =	vld [tilespmem:s28+$0x80]  }
0xd2: {  	[tilespmem:s26+$0xFFFFFF80] =	vst v4;
	v4 =	vadd.f32 v10, v9;
	v10 =	vld [tilespmem:s26+$0xFFFFFF50];
	v1 =	vadd.f32 v1, v3  }
0xd3: {  	v3 =	vld [tilespmem:s26+$0x80]  }
0xd4: {  	[tilespmem:s26+$0xFFFFFF40] =	vst v1;
	v0 =	vadd.f32 v5, v0;
	v5 =	vld [tilespmem:s26+$0x40]  }
0xd5: {  	v1 =	vadd.f32 v8, v7;
	v8 =	vld [tilespmem:s28+$0xFFFFFF50]  }
0xd6: {  	[tilespmem:s26+$0xD0] =	vst v0;
	v0 =	vld [tilespmem:s26+$0xE0]  }
0xd7: {  	[tilespmem:s26+$0x0] =	vst v4;
	v12 =	vld [tilespmem:s28+$0xE0]  }
0xd8: {  	v9 =	vld [tilespmem:s28+$0x10]  }
0xd9: {  	v7 =	vld [tilespmem:s26+$0xFFFFFF00]  }
0xda: {  	[tilespmem:s26+$0xFFFFFFC0] =	vst v1;
	v1 =	vld [tilespmem:s28+$0xFFFFFF90]  }
0xdb: {  	v4 =	vld [tilespmem:s28+$0xFFFFFFD0];
	v8 =	vadd.f32 v8, v10  }
0xdc: {  	v5 =	vadd.f32 v11, v5;
	v11 =	vld [tilespmem:s26+$0xFFFFFF90];
	v0 =	vadd.f32 v12, v0  }
0xdd: {  	v10 =	vld [tilespmem:s26+$0x90];
	[tilespmem:s26+$0xFFFFFF50] =	vst v8  }
0xde: {  	v8 =	vld [tilespmem:s28+$0xFFFFFF60];
	[tilespmem:s26+$0xE0] =	vst v0;
	v0 =	vadd.f32 v2, v7  }
0xdf: {  	[tilespmem:s26+$0x40] =	vst v5;
	v7 =	vld [tilespmem:s26+$0xF0];
	v2 =	vadd.f32 v6, v3  }
0xe0: {  	v5 =	vld [tilespmem:s28+$0xF0];
	[tilespmem:s26+$0xFFFFFF00] =	vst v0  }
0xe1: {  	v1 =	vadd.f32 v1, v11;
	[tilespmem:s26+$0x80] =	vst v2;
	v2 =	vld [tilespmem:s26+$0xFFFFFF10]  }
0xe2: {  	v3 =	vld [tilespmem:s28+$0xFFFFFF10]  }
0xe3: {  	[tilespmem:s26+$0xFFFFFF90] =	vst v1;
	v1 =	vadd.f32 v9, v13;
	v6 =	vld [tilespmem:s28+$0x90]  }
0xe4: {  	v4 =	vadd.f32 v4, v60;
	v0 =	vld [tilespmem:s28+$0x50]  }
0xe5: {  	v9 =	vld [tilespmem:s28+$0xFFFFFFA0];
	[tilespmem:s26+$0x10] =	vst v1  }
0xe6: {  	[tilespmem:s26+$0xFFFFFFD0] =	vst v4;
	v4 =	vld [tilespmem:s28+$0x20]  }
0xe7: {  	v2 =	vadd.f32 v3, v2;
	v3 =	vld [tilespmem:s26+$0x50]  }
0xe8: {  	v1 =	vadd.f32 v6, v10;
	v10 =	vld [tilespmem:s26+$0xFFFFFFA0]  }
0xe9: {  	[tilespmem:s26+$0xFFFFFF10] =	vst v2;
	v2 =	vld [tilespmem:s26+$0xFFFFFF20]  }
0xea: {  	v11 =	vld [tilespmem:s28+$0xFFFFFF20]  }
0xeb: {  	v5 =	vadd.f32 v5, v7;
	[tilespmem:s26+$0x90] =	vst v1;
	v1 =	vld [tilespmem:s26+$0xFFFFFF60]  }
0xec: {  	v7 =	vld [tilespmem:s26+$0x30]  }
0xed: {  	[tilespmem:s26+$0xF0] =	vst v5;
	v5 =	vld [tilespmem:s26+$0x70]  }
0xee: {  	v6 =	vld [tilespmem:s28+$0xA0]  }
0xef: {  	v0 =	vadd.f32 v0, v3;
	v3 =	vld [tilespmem:s28+$0xFFFFFFE0];
	v2 =	vadd.f32 v11, v2  }
0xf0: {  	v1 =	vadd.f32 v8, v1;
	v8 =	vadd.f32 v9, v10;
	v9 =	vld [tilespmem:s26+$0xFFFFFFB0]  }
0xf1: {  	[tilespmem:s26+$0xFFFFFF20] =	vst v2;
	v2 =	vld [tilespmem:s26+$0xA0]  }
0xf2: {  	[tilespmem:s26+$0x50] =	vst v0;
	v11 =	vld [tilespmem:s26+$0x20]  }
0xf3: {  	v0 =	vld [tilespmem:s28+$0x60];
	[tilespmem:s26+$0xFFFFFF60] =	vst v1  }
0xf4: {  	[tilespmem:s26+$0xFFFFFFA0] =	vst v8;
	v8 =	vld [tilespmem:s26+$0xFFFFFFF0]  }
0xf5: {  	v1 =	vadd.f32 v3, v61;
	v14 =	vld [tilespmem:s28+$0xFFFFFF70]  }
0xf6: {  	v10 =	vld [tilespmem:s28+$0xFFFFFF30];
	v6 =	vadd.f32 v6, v2  }
0xf7: {  	[tilespmem:s26+$0xFFFFFFE0] =	vst v1;
	v3 =	vadd.f32 v4, v11;
	v4 =	vld [tilespmem:s28+$0xFFFFFFB0]  }
0xf8: {  	v0 =	vadd.f32 v0, v62;
	[tilespmem:s26+$0xA0] =	vst v6;
	v6 =	vld [tilespmem:s26+$0xFFFFFF70]  }
0xf9: {  	v1 =	vld [tilespmem:s28+$0xFFFFFFF0];
	[tilespmem:s26+$0x20] =	vst v3  }
0xfa: {  	[tilespmem:s26+$0x60] =	vst v0;
	v2 =	vld [tilespmem:s28+$0x30]  }
0xfb: {  	v3 =	vld [tilespmem:s28+$0x70];
	v10 =	vadd.f32 v10, v63  }
0xfc: {  	v0 =	vld [tilespmem:s28+$0xB0]  }
0xfd: {  	s30 =	simm.s32 $0x10B00;
	s29 =	simm.s32 $0x0;
	[tilespmem:s26+$0xFFFFFF30] =	vst v10;
	v10 =	vadd.f32 v14, v6;
	v6 =	vld [tilespmem:s26+$0xB0]  }
.LBB2_5:
0xfe: {  	v11 =	vld [tilespmem:s30+$0xC0];
	v4 =	vadd.f32 v4, v9;
	s28 =	sadd.s32 $0x200, s28  }
0xff: {  	s29 =	sadd.s32 $0x8, s29;
	v9 =	vld [tilespmem:s28+$0xC0];
	[tilespmem:s26+$0xFFFFFF70] =	vst v10;
	v1 =	vadd.f32 v1, v8  }
0x100: {  	p0 =	slt.u32 s29, $0xF8;
	v8 =	vld [tilespmem:s28+$0xFFFFFF00];
	[tilespmem:s26+$0xFFFFFFB0] =	vst v4;
	v2 =	vadd.f32 v2, v7  }
0x101: {  	v4 =	vld [tilespmem:s30+$0xFFFFFF40];
	[tilespmem:s26+$0xFFFFFFF0] =	vst v1;
	v1 =	vadd.f32 v3, v5  }
0x102: {  	v3 =	vld [tilespmem:s28+$0xFFFFFF40];
	[tilespmem:s26+$0x30] =	vst v2;
	v0 =	vadd.f32 v0, v6  }
0x103: {  	v2 =	vld [tilespmem:s30+$0xFFFFFF80];
	[tilespmem:s26+$0x70] =	vst v1  }
0x104: {  	v1 =	vld [tilespmem:s28+$0xFFFFFF80];
	v5 =	vadd.f32 v9, v11;
	[tilespmem:s26+$0xB0] =	vst v0;
	s26 =	smov.u32 s30  }
0x105: {  	v0 =	vld [tilespmem:s30+$0xFFFFFFC0]  }
0x106: {  	[tilespmem:s30+$0xC0] =	vst v5;
	v5 =	vld [tilespmem:s30+$0xD0]  }
0x107: {  	v3 =	vadd.f32 v3, v4;
	v4 =	vld [tilespmem:s28+$0xD0]  }
0x108: {  	v6 =	vld [tilespmem:s28+$0xFFFFFFC0]  }
0x109: {  	[tilespmem:s30+$0xFFFFFF40] =	vst v3;
	v1 =	vadd.f32 v1, v2;
	v2 =	vld [tilespmem:s30+$0x0]  }
0x10a: {  	v3 =	vld [tilespmem:s28+$0x0]  }
0x10b: {  	[tilespmem:s30+$0xFFFFFF80] =	vst v1;
	v1 =	vld [tilespmem:s30+$0x40]  }
0x10c: {  	v7 =	vld [tilespmem:s28+$0x40];
	v4 =	vadd.f32 v4, v5  }
0x10d: {  	v0 =	vadd.f32 v6, v0;
	v5 =	vld [tilespmem:s30+$0x80]  }
0x10e: {  	[tilespmem:s30+$0xD0] =	vst v4;
	v4 =	vld [tilespmem:s30+$0xE0]  }
0x10f: {  	[tilespmem:s30+$0xFFFFFFC0] =	vst v0;
	v0 =	vadd.f32 v3, v2;
	v2 =	vld [tilespmem:s28+$0xE0]  }
0x110: {  	v3 =	vld [tilespmem:s28+$0x80]  }
0x111: {  	v6 =	vld [tilespmem:s30+$0xFFFFFF00];
	[tilespmem:s30+$0x0] =	vst v0;
	v0 =	vadd.f32 v7, v1  }
0x112: {  	v1 =	vld [tilespmem:s28+$0xFFFFFF50]  }
0x113: {  	v7 =	vld [tilespmem:s28+$0xFFFFFF90];
	[tilespmem:s30+$0x40] =	vst v0  }
0x114: {  	v0 =	vld [tilespmem:s28+$0xFFFFFFD0];
	v2 =	vadd.f32 v2, v4  }
0x115: {  	v4 =	vld [tilespmem:s28+$0x10];
	v3 =	vadd.f32 v3, v5  }
0x116: {  	v5 =	vadd.f32 v8, v6;
	[tilespmem:s30+$0xE0] =	vst v2;
	v2 =	vld [tilespmem:s30+$0xF0]  }
0x117: {  	[tilespmem:s30+$0x80] =	vst v3;
	v3 =	vld [tilespmem:s28+$0xF0]  }
0x118: {  	[tilespmem:s30+$0xFFFFFF00] =	vst v5;
	v5 =	vld [tilespmem:s28+$0x50]  }
0x119: {  	v6 =	vld [tilespmem:s28+$0xFFFFFF10]  }
0x11a: {  	v8 =	vld [tilespmem:s28+$0x90]  }
0x11b: {  	v9 =	vld [tilespmem:s30+$0xFFFFFF10]  }
0x11c: {  	v10 =	vld [tilespmem:s30+$0xFFFFFF50];
	v2 =	vadd.f32 v3, v2  }
0x11d: {  	v3 =	vld [tilespmem:s30+$0xFFFFFF90]  }
0x11e: {  	v11 =	vld [tilespmem:s30+$0xFFFFFFD0];
	[tilespmem:s30+$0xF0] =	vst v2  }
0x11f: {  	v2 =	vld [tilespmem:s30+$0x10]  }
0x120: {  	v6 =	vadd.f32 v6, v9;
	v9 =	vld [tilespmem:s30+$0x50]  }
0x121: {  	v1 =	vadd.f32 v1, v10;
	v10 =	vld [tilespmem:s30+$0x90]  }
0x122: {  	[tilespmem:s30+$0xFFFFFF10] =	vst v6;
	v6 =	vld [tilespmem:s30+$0xFFFFFF20];
	v3 =	vadd.f32 v7, v3  }
0x123: {  	v7 =	vld [tilespmem:s28+$0xFFFFFF20];
	[tilespmem:s30+$0xFFFFFF50] =	vst v1;
	v0 =	vadd.f32 v0, v11  }
0x124: {  	v1 =	vld [tilespmem:s28+$0xFFFFFF60];
	[tilespmem:s30+$0xFFFFFF90] =	vst v3;
	v2 =	vadd.f32 v4, v2  }
0x125: {  	v3 =	vld [tilespmem:s28+$0xFFFFFFA0];
	[tilespmem:s30+$0xFFFFFFD0] =	vst v0;
	v0 =	vadd.f32 v5, v9  }
0x126: {  	v4 =	vld [tilespmem:s28+$0xFFFFFFE0];
	[tilespmem:s30+$0x10] =	vst v2;
	v2 =	vadd.f32 v8, v10  }
0x127: {  	v5 =	vld [tilespmem:s28+$0x20];
	[tilespmem:s30+$0x50] =	vst v0  }
0x128: {  	v0 =	vadd.f32 v7, v6;
	v6 =	vld [tilespmem:s28+$0x60];
	[tilespmem:s30+$0x90] =	vst v2  }
0x129: {  	v2 =	vld [tilespmem:s28+$0xA0]  }
0x12a: {  	[tilespmem:s30+$0xFFFFFF20] =	vst v0;
	v0 =	vld [tilespmem:s30+$0xFFFFFF60]  }
0x12b: {  	v7 =	vld [tilespmem:s30+$0xFFFFFFA0]  }
0x12c: {  	v8 =	vld [tilespmem:s30+$0xFFFFFFE0]  }
0x12d: {  	v9 =	vld [tilespmem:s30+$0x20]  }
0x12e: {  	v10 =	vld [tilespmem:s30+$0x60]  }
0x12f: {  	v0 =	vadd.f32 v1, v0;
	v11 =	vld [tilespmem:s30+$0xA0]  }
0x130: {  	v12 =	vld [tilespmem:s28+$0xFFFFFF30];
	v1 =	vadd.f32 v3, v7  }
0x131: {  	v3 =	vld [tilespmem:s30+$0xFFFFFF30];
	[tilespmem:s30+$0xFFFFFF60] =	vst v0;
	v0 =	vadd.f32 v4, v8  }
0x132: {  	v13 =	vld [tilespmem:s28+$0xFFFFFF70];
	[tilespmem:s30+$0xFFFFFFA0] =	vst v1;
	v5 =	vadd.f32 v5, v9  }
0x133: {  	v4 =	vld [tilespmem:s28+$0xFFFFFFB0];
	[tilespmem:s30+$0xFFFFFFE0] =	vst v0;
	v0 =	vadd.f32 v6, v10  }
0x134: {  	v1 =	vld [tilespmem:s28+$0xFFFFFFF0];
	[tilespmem:s30+$0x20] =	vst v5;
	v5 =	vadd.f32 v2, v11  }
0x135: {  	v2 =	vld [tilespmem:s28+$0x30];
	[tilespmem:s30+$0x60] =	vst v0  }
0x136: {  	v6 =	vadd.f32 v12, v3;
	v3 =	vld [tilespmem:s28+$0x70];
	[tilespmem:s30+$0xA0] =	vst v5  }
0x137: {  	v0 =	vld [tilespmem:s28+$0xB0]  }
0x138: {  	[tilespmem:s30+$0xFFFFFF30] =	vst v6;
	v6 =	vld [tilespmem:s30+$0xFFFFFF70]  }
.Ltmp1:
0x139: {  	v9 =	vld [tilespmem:s30+$0xFFFFFFB0];
	(pc) =	sbr.rel @p0 .LBB2_5-.Ltmp1, $4  }
0x13a: {  	v8 =	vld [tilespmem:s30+$0xFFFFFFF0]  }
0x13b: {  	v7 =	vld [tilespmem:s30+$0x30]  }
0x13c: {  	v5 =	vld [tilespmem:s30+$0x70]  }
0x13d: {  	s30 =	sadd.s32 $0x200, s30;
	v10 =	vadd.f32 v13, v6;
	v6 =	vld [tilespmem:s26+$0xB0]  }
0x13e: {  	v4 =	vadd.f32 v4, v9  }
0x13f: {  	s24 =	sadd.s32 $0x1, s24;
	[tilespmem:s26+$0xFFFFFF70] =	vst v10;
	v1 =	vadd.f32 v1, v8  }
0x140: {  	p0 =	sne.s32 s24, $0x32;
	[tilespmem:s26+$0xFFFFFFB0] =	vst v4;
	v2 =	vadd.f32 v2, v7  }
.Ltmp2:
0x141: {  	s25 =	sshll.u32 s25, $0xE;
	[tilespmem:s26+$0xFFFFFFF0] =	vst v1;
	v63 =	vadd.f32 v3, v5;
	(pc) =	sbr.rel @p0 .LBB2_2-.Ltmp2, $4  }
0x142: {  	s25 =	sadd.s32 s8, s25;
	[tilespmem:s26+$0x30] =	vst v2;
	v0 =	vadd.f32 v0, v6  }
0x143: {  	s25 =	sshrl.u32 s25, $0x3;
	[tilespmem:s26+$0x70] =	vst v63  }
0x144: {  	s25 =	sadd.s32 s2, s25;
	[tilespmem:s26+$0xB0] =	vst v0  }
0x145: {  	[hbm4b:s25+s3] =	stream.linear.scatter [tilespmem:s15], [sflag:$0x6], $0x4000, $0x38;
	[tilespmem:$0x1C800] =	vst v63  }
0x146: {  	s23 =	sadd.s32 $0x1, s23  }
0x147: {  	p0 =	sne.s32 s23, s9  }
.Ltmp3:
0x148: {  	_ = 	snop;
	(pc) =	sbr.rel @p0 .LBB2_1-.Ltmp3, $4  }
0x149: {  	_ = 	snop  }
0x14a: {  	_ =	swait.ge [sflag:s22], $0x4000  }
0x14b: {  	[sflag:s22] =	ssyncset.done $0x0  }
0x14c: {  	[sflag:s22] =	ssyncadd.s32 $0xFFFFC000  }
0x14d: {  	_ =	sfence.sel $0x180000  }
0x14e: {  	[bflag:$0x0] =	sbarrier.arrive $0xFFFF  }
0x14f: {  	p0 =	sne.s32 s1, $0x0;
	_ =	strace $0x90000047  }
0x150: {  	s0 =	sadd.s32 @!p0 $0x100000, s0;
	[bflag:$0x2] =	sbarrier.arrive $0xFFFF  }
0x151: {  	[sflag:s0] =	ssyncadd.tile.s32 @!p0 $0x1;
	_ =	shalt  }
.Lfunc_end2:
_tile_overlayer_lowered:
.L_overlay_start_2:
0x152: {  	(tag) =	ssettag $0x2  }
0x153: {  	s0 =	rddreg [dreg:$0x0];
	s2 =	stileid.u32  }
0x154: {  	s1 =	rddreg [dreg:$0x1];
	p0 =	sne.s32 s2, $0x0  }
0x155: {  	s3 =	rddreg [dreg:$0x2];
	[bflag:$0x3] =	sbarrier.arrive $0xFFFF;
	s2 =	simm.s32 @!p0 $0x1C07  }
0x156: {  	[timem:s3], [sflag:s2] =	dma.local @!p0 [hbm:s0], s1  }
0x157: {  	s0 =	simm.s32 @!p0 $0x7  }
0x158: {  	_ =	swait.ge @!p0 [sflag:s0], s1  }
0x159: {  	s1 =	ssub.s32 @!p0 $0x0, s1;
	[sflag:s0] =	ssyncset.done @!p0 $0x0  }
0x15a: {  	[sflag:s0] =	ssyncadd.s32 @!p0 s1  }
0x15b: {  	[bflag:$0x3] =	sbarrier.arrive $0xFFFF  }
0x15c: {  	_ =	shalt  }

// kernel: sparse-core-data-format-call.cloned.1.call-start
scs
called_computation_lowered:
.L_overlay_start_0:
0x0: {  	s2 =	sld [smem:$0x3FD9]  }
0x1: {  	s3 =	sld [smem:$0x3FFE];
	_ =	sdelay $0x1  }
0x2: {  	s1 =	srdreg.scid  }
0x3: {  	s0 =	sand.u32 $0x1, s1  }
0x4: {  	s18 =	sshll.u32 s0, $0xA;
	s2 =	sadd.s32 s3, s2  }
0x5: {  	s2 =	sadd.s32 s2, s18  }
0x6: {  	[smem:$0x3FC4] =	sst s2  }
0x7: {  	_ = 	snop  }
0x8: {  	s2 =	sld [smem:$0x3FD0];
	(tm) =	ssettm $0x1  }
0x9: {  	s19 =	sld [smem:$0x3FFB];
	_ =	sdelay $0x3  }
0xa: {  	_ =	strace s19  }
0xb: {  	s3 =	sld [smem:$0x3FFC];
	_ =	sdelay $0x3  }
0xc: {  	_ =	strace s3  }
0xd: {  	s3 =	sld [smem:$0x3FFD];
	_ =	sdelay $0x3  }
0xe: {  	_ =	strace s3  }
0xf: {  	_ =	strace $0x8FFFFFFF  }
0x10: {  	s20 =	sld [smem:$0x3FDB];
	_ =	sdelay $0x1  }
0x11: {  	s4 =	simm.s32 $_scs_section_size  }
0x12: {  	s5 =	simm.s32 $_size__tile_overlayer_lowered;
	s6 =	simm.s32 $_tile_overlayer_lowered  }
0x13: {  	s23 =	simm.s32 $0x1BFF;
	s22 =	sshll.u32 s6, $0x1;
	s3 =	sadd.s32 s4, s20  }
0x14: {  	s7 =	simm.s32 $0x0;
	s21 =	sshll.u32 s5, $0x1;
	s5 =	sadd.s32 s22, s3  }
0x15: {  	[timem:s7], [sflag:s23] =	dma.local [hbm:s5], s21  }
0x16: {  	_ =	swait.ge [sflag:s23], s21  }
0x17: {  	s4 =	ssub.s32 $0x0, s21;
	[sflag:s23] =	ssyncset.done $0x0  }
0x18: {  	[sflag:s23] =	ssyncadd.s32 s4;
	_ =	sdelay $0x1  }
0x19: {  	s24 =	simm.s32 $0x1B8B  }
0x1a: {  	_ =	swait.ge [sflag:s24], $0x1  }
0x1b: {  	[sflag:s24] =	ssyncset.done $0x0  }
0x1c: {  	s26 =	simm.s32 $0x1B8E;
	s25 =	sld [smem:$0x3FFE];
	[sflag:s24] =	ssyncadd.s32 $0xFFFFFFFF  }
0x1d: {  	s27 =	simm.s32 $execute0_lowered;
	[smem:$0x3FD2] =	sst s26  }
0x1e: {  	s5 =	sshll.u32 s27, $0x1;
	_ =	strace $0x80000049;
	[dreg:$0x1] =	wrdreg $0xFFFFFFFF  }
0x1f: {  	s28 =	simm.s32 $_size_execute0_lowered;
	s3 =	sadd.s32 s3, s5;
	[dreg:$0x0] =	wrdreg $0x0  }
0x20: {  	s5 =	sshll.u32 s28, $0x1;
	[dreg:$0x2] =	wrdreg s3  }
0x21: {  	[dreg:$0x3] =	wrdreg s5  }
0x22: {  	[dreg:$0x4] =	wrdreg $0xC0  }
0x23: {  	_ =	task [dreg:s7], $0x5FFFF  }
0x24: {  	[dreg:$0x1] =	wrdreg $0xFFFFFFFF  }
0x25: {  	[dreg:$0x0] =	wrdreg $0x60  }
0x26: {  	[dreg:$0x2] =	wrdreg s25  }
0x27: {  	[dreg:$0x3] =	wrdreg s2  }
0x28: {  	[dreg:$0x4] =	wrdreg $0x9  }
0x29: {  	_ =	task.clear_ibuf [dreg:s7], $0x5FFFF;
	_ =	strace $0x90000049  }
0x2a: {  	s29 =	simm.s32 $0x9;
	_ =	strace $0x8000004B  }
0x2b: {  	_ =	swait.ge [sflag:s29], $0x1  }
0x2c: {  	[sflag:s29] =	ssyncadd.s32 $0xFFFFFFFF  }
0x2d: {  	_ =	strace $0x9000004B  }
0x2e: {  	_ =	sfence  }
0x2f: {  	s30 =	sld [smem:$0x0];
	_ =	sdelay $0x2  }
0x30: {  	s31 =	sshll.u32 s1, $0xD;
	s1 =	sshrl.u32 s1, $0x2  }
0x31: {  	s3 =	sand.u32 $0x4000, s31;
	s1 =	sadd.s32 s1, s30  }
0x32: {  	s0 =	sor.u32 s3, s0;
	s1 =	sshll.u32 s1, $0x11  }
0x33: {  	s0 =	sor.u32 s1, s0  }
0x34: {  	s0 =	sadd.s32 $0x8F2B, s0  }
0x35: {  	[sflag:s0] =	ssyncadd.remote.s32 $0x1  }
0x36: {  	_ =	sfence.sel $0xFFFF  }
0x37: {  	[dreg:$0x0] =	wrdreg $0xFFFFFFFF;
	(pc) =	sbr.abs _section_cstart, $3  }
0x38: {  	[dreg:$0x1] =	wrdreg $0xFFFFFFFF  }
0x39: {  	_ =	task.clear_ibuf [dreg:s7], $0x2FFFF;
	_ =	strace $0x9FFFFFFF  }
0x3a: {  	(tm) =	ssettm $0x7FFFFFFF  }
0x3b: {  	_ =	shalt  }
tec
execute0_lowered:
.L_overlay_start_1:
0x0: {  	(tag) =	ssettag $0x1  }
0x1: {  	s0 =	srdreg.scid  }
0x2: {  	s1 =	sshll.u32 s0, $0x4  }
0x3: {  	s4 =	rddreg [dreg:$0x0];
	s0 =	stileid.u32;
	s1 =	sand.u32 $0x10, s1  }
0x4: {  	s2 =	rddreg [dreg:$0x1];
	s7 =	simm.s32 $0x1;
	s1 =	sor.u32 s0, s1  }
0x5: {  	s8 =	simm.s32 $0x2;
	s11 =	simm.s32 $0x0;
	s3 =	sshll.u32 s1, $0x7  }
0x6: {  	s10 =	simm.s32 $0x0;
	s4 =	sadd.s32 $0x2400, s4;
	s6 =	ssub.s32 $0xC8000, s3  }
.Ltmp0:
0x7: {  	s1 =	rddreg [dreg:$0x2];
	s5 =	sand.u32 $0xF80, s6;
	(pc) =	sbr.rel .LBB1_1-.Ltmp0, $4  }
0x8: {  	_ =	strace $0x8000004A;
	s9 =	smov.u32 s3;
	p0 =	sne.s32 s5, $0x0  }
0x9: {  	s6 =	sshrl.u32 s6, $0xC;
	s5 =	simm.s32 $0x1;
	s7 =	simm.s32 @!p0 $0x0  }
0xa: {  	[sflag:s5] =	ssyncpa.u1 $0x0;
	p0 =	por $0x0, $0x0;
	s6 =	sadd.s32 s7, s6  }
0xb: {  	[sflag:s8] =	ssyncpa.u1 $0x0;
	s8 =	simm.s32 $0x640000;
	s7 =	sadd.s32 $0x1, s6  }
.LBB1_4:
0xc: {  	s14 =	sshll.u32 s11, $0x3  }
0xd: {  	s30 =	sand.u32 $0x7F, s11;
	s15 =	sand.u32 $0xFFFFFC00, s14  }
0xe: {  	s11 =	sor.u32 s30, s15  }
0xf: {  	s15 =	smulhi.u32 $0x51EB851F, s11  }
0x10: {  	s14 =	smulhi.u32 $0x51EB851F, s14  }
0x11: {  	s15 =	sshrl.u32 s15, $0x12  }
0x12: {  	s14 =	sshrl.u32 s14, $0x12;
	s15 =	smul.u32 $0xC8000, s15  }
0x13: {  	s14 =	sand.u32 $0x3F, s14  }
0x14: {  	s14 =	smul.u32 $0x19000, s14;
	s11 =	ssub.s32 s11, s15  }
0x15: {  	[tilespmem:s13+$0x810 ss:$0x81] =	vst.msk $0xffff, v2;
	s15 =	sand.u32 $0x7, s11  }
0x16: {  	[tilespmem:s13+$0x1020 ss:$0x81] =	vst.msk $0xffff, v0;
	s14 =	sadd.s32 s2, s14;
	s11 =	sshrl.u32 s11, $0x3;
	s15 =	sshll.u32 s15, $0x12  }
0x17: {  	[tilespmem:s13+$0x0 ss:$0x81] =	vst.msk $0xffff, v1;
	s11 =	sadd.s32 s11, s14;
	s31 =	sor.u32 $0x400, s15  }
0x18: {  	[hbm4b:s11+s31] =	stream.strided.scatter [tilespmem:s12], [sflag:$0x2], $0x2000, s8, s31, $0x20;
	[tilespmem:$0x8080] =	vst v63  }
.LBB1_5:
0x19: {  	s13 =	sadd.s32 $0x1000, s9  }
0x1a: {  	p2 =	sgt.s32 s13, $0xC7FFF  }
0x1b: {  	s13 =	smov.u32 @p2 s3;
	p2 =	sne.s32 s10, s7  }
.Ltmp1:
0x1c: {  	p1 =	slt.u32 s10, $0x2;
	(pc) =	sbr.rel @!p2 .LBB1_6-.Ltmp1, $4  }
0x1d: {  	s12 =	simm.s32 @!p1 $0x2  }
0x1e: {  	s14 =	sadd.s32 $0x1, s10;
	_ =	swait.ge @!p1 [sflag:s12], $0x2000  }
0x1f: {  	s11 =	smov.u32 s9;
	p0 =	por !p0, !p0;
	[sflag:s12] =	ssyncset.done @!p1 $0x0  }
0x20: {  	s10 =	smov.u32 s14;
	s9 =	smov.u32 s13;
	[sflag:s12] =	ssyncadd.s32 @!p1 $0xFFFFE000  }
.LBB1_1:
0x21: {  	p1 =	sge.u32 s10, s6  }
0x22: {  	s12 =	sand.u32 @!p1 $0x1FFFFFF, s9  }
0x23: {  	s13 =	smulhi.u32 @!p1 $0x147AE15, s12;
	_ =	sdelay $0x1  }
0x24: {  	s13 =	sshrl.u32 @!p1 s13, $0xC  }
0x25: {  	s13 =	smul.u32 @!p1 $0xC8000, s13;
	_ =	sdelay $0x1  }
0x26: {  	s31 =	sadd.s32 $0xFFFFFFFF, s10;
	s14 =	sxor.u32 @!p1 $0xFFFFFFFF, s10;
	s12 =	ssub.s32 @!p1 s12, s13  }
0x27: {  	s15 =	simm.s32 @!p1 $0x80;
	s14 =	sshll.u32 @!p1 s14, $0xD;
	s12 =	sshll.u32 @!p1 s12, $0x4  }
0x28: {  	s13 =	sand.u32 @!p1 $0x2000, s14;
	s14 =	simm.s32 @!p1 $0x40;
	s12 =	sadd.s32 @!p1 s4, s12  }
0x29: {  	[tilespmem:s13], [sflag:$0x1] =	stream.strided.gather @!p1 [hbm4b:s12+s14], $0x2000, s15, s14, $0x38;
	[tilespmem:$0x8080] =	vst v63  }
0x2a: {  	p1 =	sge.u32 s31, s6  }
.Ltmp2:
0x2b: {  	_ = 	snop;
	(pc) =	sbr.rel @p1 .LBB1_5-.Ltmp2, $1  }
0x2c: {  	_ =	sdelay $0x3  }
0x2d: {  	s12 =	simm.s32 $0x1  }
0x2e: {  	_ =	swait.ge [sflag:s5], $0x2000;
	s12 =	simm.s32 @!p0 $0x0  }
0x2f: {  	[sflag:s5] =	ssyncset.done $0x0;
	s13 =	sshll.u32 s12, $0xD  }
0x30: {  	[sflag:s5] =	ssyncadd.s32 $0xFFFFE000;
	s16 =	sor.u32 $0x20, s13  }
0x31: {  	s12 =	smul.u32 $0x8100, s12;
	v3 =	vld [tilespmem:s16+$0x10]  }
0x32: {  	s30 =	sand.u32 $0x1, s10;
	v2 =	vld [tilespmem:s16+$0xFFFFFFF0]  }
0x33: {  	s13 =	smul.u32 $0x8100, s30;
	s12 =	sshrl.u32 s12, $0x2;
	v0 =	vld [tilespmem:s16+$0x0]  }
0x34: {  	v1 =	vld [tilespmem:s16+$0xFFFFFFE0];
	s14 =	sor.u32 $0x4000, s12  }
0x35: {  	s31 =	sshrl.u32 s13, $0x2;
	s13 =	sadd.s32 $0x0, s14  }
0x36: {  	s15 =	simm.s32 $0x4;
	s16 =	sadd.s32 $0x40, s16;
	s12 =	sor.u32 $0x4000, s31;
	[tilespmem:s13+$0x1830 ss:$0x81] =	vst.msk $0xffff, v3  }
.LBB1_3:
0x37: {  	v3 =	vld [tilespmem:s16+$0x10];
	p1 =	sne.s32 s15, $0x1FC;
	[tilespmem:s13+$0x810 ss:$0x81] =	vst.msk $0xffff, v2;
	s17 =	smov.u32 s15;
	s15 =	sadd.s32 $0x4, s15  }
.Ltmp3:
0x38: {  	v2 =	vld [tilespmem:s16+$0xFFFFFFF0];
	[tilespmem:s13+$0x1020 ss:$0x81] =	vst.msk $0xffff, v0;
	(pc) =	sbr.rel @p1 .LBB1_3-.Ltmp3, $4  }
0x39: {  	v0 =	vld [tilespmem:s16+$0x0];
	[tilespmem:s13+$0x0 ss:$0x81] =	vst.msk $0xffff, v1  }
0x3a: {  	s13 =	sshra.s32 s17, $0x2;
	v1 =	vld [tilespmem:s16+$0xFFFFFFE0]  }
0x3b: {  	s13 =	sadd.s32 s13, s14  }
0x3c: {  	s16 =	sadd.s32 $0x40, s16;
	[tilespmem:s13+$0x1830 ss:$0x81] =	vst.msk $0xffff, v3  }
.Ltmp4:
0x3d: {  	_ = 	snop;
	(pc) =	sbr.rel .LBB1_4-.Ltmp4, $1  }
0x3e: {  	_ =	sdelay $0x3  }
.LBB1_6:
0x3f: {  	_ =	sfence.sel $0x180000  }
0x40: {  	s2 =	simm.s32 $0x1;
	[bflag:$0x0] =	sbarrier.arrive $0xFFFF  }
0x41: {  	s31 =	simm.s32 $0x2;
	[sflag:s2] =	ssyncpa.u1 $0x1  }
0x42: {  	[sflag:s31] =	ssyncpa.u1 $0x1  }
0x43: {  	p0 =	sne.s32 s0, $0x0;
	_ =	strace $0x9000004A  }
0x44: {  	s0 =	sadd.s32 @!p0 $0x100000, s1;
	[bflag:$0x2] =	sbarrier.arrive $0xFFFF  }
0x45: {  	[sflag:s0] =	ssyncadd.tile.s32 @!p0 $0x1;
	_ =	shalt  }
.Lfunc_end1:
_tile_overlayer_lowered:
.L_overlay_start_2:
0x46: {  	(tag) =	ssettag $0x2  }
0x47: {  	s0 =	rddreg [dreg:$0x0];
	s2 =	stileid.u32  }
0x48: {  	s1 =	rddreg [dreg:$0x1];
	p0 =	sne.s32 s2, $0x0  }
0x49: {  	s3 =	rddreg [dreg:$0x2];
	[bflag:$0x3] =	sbarrier.arrive $0xFFFF;
	s2 =	simm.s32 @!p0 $0x1C01  }
0x4a: {  	[timem:s3], [sflag:s2] =	dma.local @!p0 [hbm:s0], s1  }
0x4b: {  	s0 =	simm.s32 @!p0 $0x1  }
0x4c: {  	_ =	swait.ge @!p0 [sflag:s0], s1  }
0x4d: {  	s1 =	ssub.s32 @!p0 $0x0, s1;
	[sflag:s0] =	ssyncset.done @!p0 $0x0  }
0x4e: {  	[sflag:s0] =	ssyncadd.s32 @!p0 s1  }
0x4f: {  	[bflag:$0x3] =	sbarrier.arrive $0xFFFF  }
0x50: {  	_ =	shalt  }

</sc_bundles>
